<compile_context>
chip_gen: v7x
topology: tpu7x:2x2x1
jax: 0.10.2.dev20260603
libtpu: 0.0.44.dev20260713+nightly
codegen_flags: <defaults>
</compile_context>

<pallas_src>
import functools

import jax
import jax.numpy as jnp
from jax import lax
from jax.experimental import pallas as pl
from jax.experimental.pallas import tpu as pltpu
from jax.experimental.pallas import tpu_sc as plsc

BATCH, N, K, D = 8, 2048, 256, 512
NC, NS = 2, 16
NW = NC * NS
BATCH_PER_CORE = BATCH // NC
TILES_PER_BATCH = NS // BATCH_PER_CORE
SCAT_ROWS = K // TILES_PER_BATCH
ZERO_ROWS = BATCH_PER_CORE * N // NS
ZBUF_ROWS = 32
ZERO_REPS = ZERO_ROWS // ZBUF_ROWS
A_ROWS = BATCH * N


def _sc_body(x_hbm, idx_hbm, out_hbm, zeros_v, rows_v, idx_v, sem):
    c = lax.axis_index("c")
    s = lax.axis_index("s")
    b = c * BATCH_PER_CORE + s // TILES_PER_BATCH
    chunk = b * K + (s % TILES_PER_BATCH) * SCAT_ROWS
    zrow0 = (c * NS + s) * ZERO_ROWS

    zv = jnp.zeros((16,), jnp.float32)
    def fill_row(r, carry):
        for cj in range(D // 16):
            zeros_v[r, 16 * cj:16 * (cj + 1)] = zv
        return carry
    lax.fori_loop(0, ZBUF_ROWS, fill_row, 0)

    zero_dmas = [
        pltpu.async_copy(
            zeros_v, out_hbm.at[pl.ds(zrow0 + j * ZBUF_ROWS, ZBUF_ROWS)], sem)
        for j in range(ZERO_REPS)
    ]
    pltpu.sync_copy(idx_hbm.at[pl.ds(chunk, SCAT_ROWS)], idx_v)
    pltpu.sync_copy(x_hbm.at[pl.ds(chunk, SCAT_ROWS)], rows_v)
    off = (b * N).astype(jnp.int32)
    for j in range(SCAT_ROWS // 16):
        idx_v[16 * j:16 * (j + 1)] = idx_v[16 * j:16 * (j + 1)] + off
    for dma in zero_dmas:
        dma.wait()
    plsc.subcore_barrier()
    pltpu.async_copy(rows_v, out_hbm.at[idx_v], sem).wait()


_sc_scatter = functools.partial(
    pl.kernel,
    mesh=plsc.VectorSubcoreMesh(core_axis_name="c", subcore_axis_name="s"),
    out_type=jax.ShapeDtypeStruct((BATCH * N, D), jnp.float32),
    scratch_types=[
        pltpu.VMEM((ZBUF_ROWS, D), jnp.float32),
        pltpu.VMEM((SCAT_ROWS, D), jnp.float32),
        pltpu.VMEM((SCAT_ROWS,), jnp.int32),
        pltpu.SemaphoreType.DMA,
    ],
)(_sc_body)


A_BLK = 512


def _tc_copy_body(a_ref, out_ref):
    out_ref[...] = a_ref[...]


_tc_copy = pl.pallas_call(
    _tc_copy_body,
    grid=(A_ROWS // A_BLK,),
    in_specs=[pl.BlockSpec((A_BLK, N), lambda g: (g, 0))],
    out_specs=pl.BlockSpec((A_BLK, N), lambda g: (g, 0)),
    out_shape=jax.ShapeDtypeStruct((A_ROWS, N), jnp.float32),
    compiler_params=pltpu.CompilerParams(
        dimension_semantics=("arbitrary",),
    ),
)


def kernel(A, X, idx_batch):
    a_flat = A.reshape(A_ROWS, N)
    x_flat = X.reshape(BATCH * K, D)
    idx_flat = idx_batch.reshape(BATCH * K).astype(jnp.int32)
    out = _sc_scatter(x_flat, idx_flat)
    a_out = _tc_copy(a_flat)
    return (a_out.reshape(BATCH, N, N), out.reshape(BATCH, N, D))

# --- scband reference (transcript-rebuilt; emitter-appended) ---
"""Pipeline reference for scband-graph-unpool-68289980006747 (READ-ONLY COPY).

The authoritative reference and input builder live on the scoring server;
editing this copy changes nothing except your own understanding.
"""

import jax, jax.numpy as jnp
import numpy as np


def setup_inputs(seed: int = 0) -> dict:
    key = jax.random.key(seed)
    k1, k2 = jax.random.split(key)
    batch, N, k, d = 8, 2048, 256, 512
    A = jax.random.normal(k1, (batch, N, N), dtype=jnp.float32)
    X = jax.random.normal(k2, (batch, k, d), dtype=jnp.float32)
    # arange fill: values 0..batch*k-1 = 0..2047, all < N=2048, unique per row
    idx_batch = jnp.arange(batch * k, dtype=jnp.int64 if jax.config.jax_enable_x64 else jnp.int32).reshape(batch, k)
    return {"A": A, "X": X, "idx_batch": idx_batch}


def reference(A, X, idx_batch):
    batch = X.shape[0]
    N = A.shape[1]
    d = X.shape[-1]
    new_X = jnp.zeros((batch, N, d), dtype=X.dtype)
    rows = jnp.arange(batch)[:, None]  # [batch, 1]
    # scatter-overwrite: new_X[rows, idx_batch] = X
    new_X = new_X.at[rows, idx_batch].set(X)
    return (A, new_X)

if __name__ == "__main__":
    import jax
    _d = setup_inputs()
    print(jax.jit(kernel)(*tuple(_d.values())))

</pallas_src>

<mosaic_0001>
#map = affine_map<(d0, d1) -> (0, 0)>
#map1 = affine_map<(d0, d1) -> (0)>
module attributes {stable_mosaic.version = 14 : i64} {
  func.func @_sc_body(%arg0: i32, %arg1: i32, %arg2: memref<2048x512xf32, #tpu.memory_space<hbm>>, %arg3: memref<2048xi32, #tpu.memory_space<hbm>>, %arg4: memref<16384x512xf32, #tpu.memory_space<hbm>>, %arg5: memref<32x512xf32, #tpu.memory_space<vmem>>, %arg6: memref<64x512xf32, #tpu.memory_space<vmem>>, %arg7: memref<64xi32, #tpu.memory_space<vmem>>, %arg8: memref<!tpu.dma_semaphore, #tpu.memory_space<semaphore_mem>>) attributes {dimension_semantics = [#tpu.dimension_semantics<core_parallel>, #tpu.dimension_semantics<subcore_parallel>], iteration_bounds = array<i64: 2, 16>, scalar_prefetch = 0 : i64, scratch_operands = 4 : i64, tpu.core_type = #tpu.core_type<sc_vector_subcore>, window_params = [{transform_indices = #map}, {transform_indices = #map1}, {transform_indices = #map}]} {
    %mul3A = arith.constant 4 : i32
    %mul3A_0 = arith.muli %arg0, %mul3A : i32
    %jit3A = arith.constant 4 : i32
    %div3A = arith.divsi %arg1, %jit3A : i32
    %sign3A = arith.constant 0 : i32
    %sign3A_1 = arith.cmpi sgt, %arg1, %sign3A : i32
    %sign3A_2 = arith.extui %sign3A_1 : i1 to i32
    %sign3A_3 = arith.constant 0 : i32
    %sign3A_4 = arith.cmpi slt, %arg1, %sign3A_3 : i32
    %sign3A_5 = arith.extui %sign3A_4 : i1 to i32
    %sign3A_6 = arith.subi %sign3A_2, %sign3A_5 : i32
    %sign3A_7 = arith.constant 0 : i32
    %sign3A_8 = arith.cmpi sgt, %jit3A, %sign3A_7 : i32
    %sign3A_9 = arith.extui %sign3A_8 : i1 to i32
    %sign3A_10 = arith.constant 0 : i32
    %sign3A_11 = arith.cmpi slt, %jit3A, %sign3A_10 : i32
    %sign3A_12 = arith.extui %sign3A_11 : i1 to i32
    %sign3A_13 = arith.subi %sign3A_9, %sign3A_12 : i32
    %ne3A = arith.cmpi ne, %sign3A_6, %sign3A_13 : i32
    %rem3A = arith.remsi %arg1, %jit3A : i32
    %ne3A_14 = arith.constant 0 : i32
    %ne3A_15 = arith.cmpi ne, %rem3A, %ne3A_14 : i32
    %and3A = arith.andi %ne3A, %ne3A_15 : i1
    %sub3A = arith.constant 1 : i32
    %sub3A_16 = arith.subi %div3A, %sub3A : i32
    %select_n3A = arith.select %and3A, %sub3A_16, %div3A : i32
    %add3A = arith.addi %mul3A_0, %select_n3A : i32
    %mul3A_17 = arith.constant 256 : i32
    %mul3A_18 = arith.muli %add3A, %mul3A_17 : i32
    %jit3A_19 = arith.constant 4 : i32
    %eq3A = arith.constant 0 : i32
    %eq3A_20 = arith.cmpi eq, %jit3A_19, %eq3A : i32
    %jit3A_21 = arith.constant 1 : i32
    %select_n3A_22 = arith.select %eq3A_20, %jit3A_21, %jit3A_19 : i32
    %rem3A_23 = arith.remsi %arg1, %select_n3A_22 : i32
    %ne3A_24 = arith.constant 0 : i32
    %ne3A_25 = arith.cmpi ne, %rem3A_23, %ne3A_24 : i32
    %lt3A = arith.constant 0 : i32
    %lt3A_26 = arith.cmpi slt, %rem3A_23, %lt3A : i32
    %lt3A_27 = arith.constant 0 : i32
    %lt3A_28 = arith.cmpi slt, %select_n3A_22, %lt3A_27 : i32
    %ne3A_29 = arith.xori %lt3A_26, %lt3A_28 : i1
    %and3A_30 = arith.andi %ne3A_29, %ne3A_25 : i1
    %add3A_31 = arith.addi %rem3A_23, %select_n3A_22 : i32
    %select_n3A_32 = arith.select %and3A_30, %add3A_31, %rem3A_23 : i32
    %mul3A_33 = arith.constant 64 : i32
    %mul3A_34 = arith.muli %select_n3A_32, %mul3A_33 : i32
    %add3A_35 = arith.addi %mul3A_18, %mul3A_34 : i32
    %mul3A_36 = arith.constant 16 : i32
    %mul3A_37 = arith.muli %arg0, %mul3A_36 : i32
    %add3A_38 = arith.addi %mul3A_37, %arg1 : i32
    %mul3A_39 = arith.constant 512 : i32
    %mul3A_40 = arith.muli %add3A_38, %mul3A_39 : i32
    %broadcast_in_dim3A = arith.constant 0.000000e+00 : f32
    %broadcast_in_dim3A_41 = vector.broadcast %broadcast_in_dim3A : f32 to vector<16xf32>
    %scan3A = arith.constant 0 : i32
    %scan3A_42 = arith.constant 0 : i32
    %scan3A_43 = arith.constant 32 : i32
    %scan3A_44 = arith.addi %scan3A_42, %scan3A_43 : i32
    %scan3A_45 = arith.constant 1 : i32
    scf.for %scan3A_247 = %scan3A_42 to %scan3A_44 step %scan3A_45  : i32 {
      %swap3A_248 = arith.index_cast %scan3A_247 : i32 to index
      %swap3A_249 = arith.constant 0 : index
      %swap3A_250 = tpu.vector_load %arg5[%swap3A_248, %swap3A_249] {strides = array<i32>} : memref<32x512xf32, #tpu.memory_space<vmem>>, vector<1x16xf32>,
      %swap3A_251 = vector.shape_cast %swap3A_250 : vector<1x16xf32> to vector<16xf32>
      %swap3A_252 = vector.shape_cast %broadcast_in_dim3A_41 : vector<16xf32> to vector<1x16xf32>
      tpu.vector_store %arg5[%swap3A_248, %swap3A_249], %swap3A_252 {strides = array<i32>} : memref<32x512xf32, #tpu.memory_space<vmem>>, vector<1x16xf32>,
      %swap3A_253 = arith.index_cast %scan3A_247 : i32 to index
      %swap3A_254 = arith.constant 16 : index
      %swap3A_255 = tpu.vector_load %arg5[%swap3A_253, %swap3A_254] {strides = array<i32>} : memref<32x512xf32, #tpu.memory_space<vmem>>, vector<1x16xf32>,
      %swap3A_256 = vector.shape_cast %swap3A_255 : vector<1x16xf32> to vector<16xf32>
      %swap3A_257 = vector.shape_cast %broadcast_in_dim3A_41 : vector<16xf32> to vector<1x16xf32>
      tpu.vector_store %arg5[%swap3A_253, %swap3A_254], %swap3A_257 {strides = array<i32>} : memref<32x512xf32, #tpu.memory_space<vmem>>, vector<1x16xf32>,
      %swap3A_258 = arith.index_cast %scan3A_247 : i32 to index
      %swap3A_259 = arith.constant 32 : index
      %swap3A_260 = tpu.vector_load %arg5[%swap3A_258, %swap3A_259] {strides = array<i32>} : memref<32x512xf32, #tpu.memory_space<vmem>>, vector<1x16xf32>,
      %swap3A_261 = vector.shape_cast %swap3A_260 : vector<1x16xf32> to vector<16xf32>
      %swap3A_262 = vector.shape_cast %broadcast_in_dim3A_41 : vector<16xf32> to vector<1x16xf32>
      tpu.vector_store %arg5[%swap3A_258, %swap3A_259], %swap3A_262 {strides = array<i32>} : memref<32x512xf32, #tpu.memory_space<vmem>>, vector<1x16xf32>,
      %swap3A_263 = arith.index_cast %scan3A_247 : i32 to index
      %swap3A_264 = arith.constant 48 : index
      %swap3A_265 = tpu.vector_load %arg5[%swap3A_263, %swap3A_264] {strides = array<i32>} : memref<32x512xf32, #tpu.memory_space<vmem>>, vector<1x16xf32>,
      %swap3A_266 = vector.shape_cast %swap3A_265 : vector<1x16xf32> to vector<16xf32>
      %swap3A_267 = vector.shape_cast %broadcast_in_dim3A_41 : vector<16xf32> to vector<1x16xf32>
      tpu.vector_store %arg5[%swap3A_263, %swap3A_264], %swap3A_267 {strides = array<i32>} : memref<32x512xf32, #tpu.memory_space<vmem>>, vector<1x16xf32>,
      %swap3A_268 = arith.index_cast %scan3A_247 : i32 to index
      %swap3A_269 = arith.constant 64 : index
      %swap3A_270 = tpu.vector_load %arg5[%swap3A_268, %swap3A_269] {strides = array<i32>} : memref<32x512xf32, #tpu.memory_space<vmem>>, vector<1x16xf32>,
      %swap3A_271 = vector.shape_cast %swap3A_270 : vector<1x16xf32> to vector<16xf32>
      %swap3A_272 = vector.shape_cast %broadcast_in_dim3A_41 : vector<16xf32> to vector<1x16xf32>
      tpu.vector_store %arg5[%swap3A_268, %swap3A_269], %swap3A_272 {strides = array<i32>} : memref<32x512xf32, #tpu.memory_space<vmem>>, vector<1x16xf32>,
      %swap3A_273 = arith.index_cast %scan3A_247 : i32 to index
      %swap3A_274 = arith.constant 80 : index
      %swap3A_275 = tpu.vector_load %arg5[%swap3A_273, %swap3A_274] {strides = array<i32>} : memref<32x512xf32, #tpu.memory_space<vmem>>, vector<1x16xf32>,
      %swap3A_276 = vector.shape_cast %swap3A_275 : vector<1x16xf32> to vector<16xf32>
      %swap3A_277 = vector.shape_cast %broadcast_in_dim3A_41 : vector<16xf32> to vector<1x16xf32>
      tpu.vector_store %arg5[%swap3A_273, %swap3A_274], %swap3A_277 {strides = array<i32>} : memref<32x512xf32, #tpu.memory_space<vmem>>, vector<1x16xf32>,
      %swap3A_278 = arith.index_cast %scan3A_247 : i32 to index
      %swap3A_279 = arith.constant 96 : index
      %swap3A_280 = tpu.vector_load %arg5[%swap3A_278, %swap3A_279] {strides = array<i32>} : memref<32x512xf32, #tpu.memory_space<vmem>>, vector<1x16xf32>,
      %swap3A_281 = vector.shape_cast %swap3A_280 : vector<1x16xf32> to vector<16xf32>
      %swap3A_282 = vector.shape_cast %broadcast_in_dim3A_41 : vector<16xf32> to vector<1x16xf32>
      tpu.vector_store %arg5[%swap3A_278, %swap3A_279], %swap3A_282 {strides = array<i32>} : memref<32x512xf32, #tpu.memory_space<vmem>>, vector<1x16xf32>,
      %swap3A_283 = arith.index_cast %scan3A_247 : i32 to index
      %swap3A_284 = arith.constant 112 : index
      %swap3A_285 = tpu.vector_load %arg5[%swap3A_283, %swap3A_284] {strides = array<i32>} : memref<32x512xf32, #tpu.memory_space<vmem>>, vector<1x16xf32>,
      %swap3A_286 = vector.shape_cast %swap3A_285 : vector<1x16xf32> to vector<16xf32>
      %swap3A_287 = vector.shape_cast %broadcast_in_dim3A_41 : vector<16xf32> to vector<1x16xf32>
      tpu.vector_store %arg5[%swap3A_283, %swap3A_284], %swap3A_287 {strides = array<i32>} : memref<32x512xf32, #tpu.memory_space<vmem>>, vector<1x16xf32>,
      %swap3A_288 = arith.index_cast %scan3A_247 : i32 to index
      %swap3A_289 = arith.constant 128 : index
      %swap3A_290 = tpu.vector_load %arg5[%swap3A_288, %swap3A_289] {strides = array<i32>} : memref<32x512xf32, #tpu.memory_space<vmem>>, vector<1x16xf32>,
      %swap3A_291 = vector.shape_cast %swap3A_290 : vector<1x16xf32> to vector<16xf32>
      %swap3A_292 = vector.shape_cast %broadcast_in_dim3A_41 : vector<16xf32> to vector<1x16xf32>
      tpu.vector_store %arg5[%swap3A_288, %swap3A_289], %swap3A_292 {strides = array<i32>} : memref<32x512xf32, #tpu.memory_space<vmem>>, vector<1x16xf32>,
      %swap3A_293 = arith.index_cast %scan3A_247 : i32 to index
      %swap3A_294 = arith.constant 144 : index
      %swap3A_295 = tpu.vector_load %arg5[%swap3A_293, %swap3A_294] {strides = array<i32>} : memref<32x512xf32, #tpu.memory_space<vmem>>, vector<1x16xf32>,
      %swap3A_296 = vector.shape_cast %swap3A_295 : vector<1x16xf32> to vector<16xf32>
      %swap3A_297 = vector.shape_cast %broadcast_in_dim3A_41 : vector<16xf32> to vector<1x16xf32>
      tpu.vector_store %arg5[%swap3A_293, %swap3A_294], %swap3A_297 {strides = array<i32>} : memref<32x512xf32, #tpu.memory_space<vmem>>, vector<1x16xf32>,
      %swap3A_298 = arith.index_cast %scan3A_247 : i32 to index
      %swap3A_299 = arith.constant 160 : index
      %swap3A_300 = tpu.vector_load %arg5[%swap3A_298, %swap3A_299] {strides = array<i32>} : memref<32x512xf32, #tpu.memory_space<vmem>>, vector<1x16xf32>,
      %swap3A_301 = vector.shape_cast %swap3A_300 : vector<1x16xf32> to vector<16xf32>
      %swap3A_302 = vector.shape_cast %broadcast_in_dim3A_41 : vector<16xf32> to vector<1x16xf32>
      tpu.vector_store %arg5[%swap3A_298, %swap3A_299], %swap3A_302 {strides = array<i32>} : memref<32x512xf32, #tpu.memory_space<vmem>>, vector<1x16xf32>,
      %swap3A_303 = arith.index_cast %scan3A_247 : i32 to index
      %swap3A_304 = arith.constant 176 : index
      %swap3A_305 = tpu.vector_load %arg5[%swap3A_303, %swap3A_304] {strides = array<i32>} : memref<32x512xf32, #tpu.memory_space<vmem>>, vector<1x16xf32>,
      %swap3A_306 = vector.shape_cast %swap3A_305 : vector<1x16xf32> to vector<16xf32>
      %swap3A_307 = vector.shape_cast %broadcast_in_dim3A_41 : vector<16xf32> to vector<1x16xf32>
      tpu.vector_store %arg5[%swap3A_303, %swap3A_304], %swap3A_307 {strides = array<i32>} : memref<32x512xf32, #tpu.memory_space<vmem>>, vector<1x16xf32>,
      %swap3A_308 = arith.index_cast %scan3A_247 : i32 to index
      %swap3A_309 = arith.constant 192 : index
      %swap3A_310 = tpu.vector_load %arg5[%swap3A_308, %swap3A_309] {strides = array<i32>} : memref<32x512xf32, #tpu.memory_space<vmem>>, vector<1x16xf32>,
      %swap3A_311 = vector.shape_cast %swap3A_310 : vector<1x16xf32> to vector<16xf32>
      %swap3A_312 = vector.shape_cast %broadcast_in_dim3A_41 : vector<16xf32> to vector<1x16xf32>
      tpu.vector_store %arg5[%swap3A_308, %swap3A_309], %swap3A_312 {strides = array<i32>} : memref<32x512xf32, #tpu.memory_space<vmem>>, vector<1x16xf32>,
      %swap3A_313 = arith.index_cast %scan3A_247 : i32 to index
      %swap3A_314 = arith.constant 208 : index
      %swap3A_315 = tpu.vector_load %arg5[%swap3A_313, %swap3A_314] {strides = array<i32>} : memref<32x512xf32, #tpu.memory_space<vmem>>, vector<1x16xf32>,
      %swap3A_316 = vector.shape_cast %swap3A_315 : vector<1x16xf32> to vector<16xf32>
      %swap3A_317 = vector.shape_cast %broadcast_in_dim3A_41 : vector<16xf32> to vector<1x16xf32>
      tpu.vector_store %arg5[%swap3A_313, %swap3A_314], %swap3A_317 {strides = array<i32>} : memref<32x512xf32, #tpu.memory_space<vmem>>, vector<1x16xf32>,
      %swap3A_318 = arith.index_cast %scan3A_247 : i32 to index
      %swap3A_319 = arith.constant 224 : index
      %swap3A_320 = tpu.vector_load %arg5[%swap3A_318, %swap3A_319] {strides = array<i32>} : memref<32x512xf32, #tpu.memory_space<vmem>>, vector<1x16xf32>,
      %swap3A_321 = vector.shape_cast %swap3A_320 : vector<1x16xf32> to vector<16xf32>
      %swap3A_322 = vector.shape_cast %broadcast_in_dim3A_41 : vector<16xf32> to vector<1x16xf32>
      tpu.vector_store %arg5[%swap3A_318, %swap3A_319], %swap3A_322 {strides = array<i32>} : memref<32x512xf32, #tpu.memory_space<vmem>>, vector<1x16xf32>,
      %swap3A_323 = arith.index_cast %scan3A_247 : i32 to index
      %swap3A_324 = arith.constant 240 : index
      %swap3A_325 = tpu.vector_load %arg5[%swap3A_323, %swap3A_324] {strides = array<i32>} : memref<32x512xf32, #tpu.memory_space<vmem>>, vector<1x16xf32>,
      %swap3A_326 = vector.shape_cast %swap3A_325 : vector<1x16xf32> to vector<16xf32>
      %swap3A_327 = vector.shape_cast %broadcast_in_dim3A_41 : vector<16xf32> to vector<1x16xf32>
      tpu.vector_store %arg5[%swap3A_323, %swap3A_324], %swap3A_327 {strides = array<i32>} : memref<32x512xf32, #tpu.memory_space<vmem>>, vector<1x16xf32>,
      %swap3A_328 = arith.index_cast %scan3A_247 : i32 to index
      %swap3A_329 = arith.constant 256 : index
      %swap3A_330 = tpu.vector_load %arg5[%swap3A_328, %swap3A_329] {strides = array<i32>} : memref<32x512xf32, #tpu.memory_space<vmem>>, vector<1x16xf32>,
      %swap3A_331 = vector.shape_cast %swap3A_330 : vector<1x16xf32> to vector<16xf32>
      %swap3A_332 = vector.shape_cast %broadcast_in_dim3A_41 : vector<16xf32> to vector<1x16xf32>
      tpu.vector_store %arg5[%swap3A_328, %swap3A_329], %swap3A_332 {strides = array<i32>} : memref<32x512xf32, #tpu.memory_space<vmem>>, vector<1x16xf32>,
      %swap3A_333 = arith.index_cast %scan3A_247 : i32 to index
      %swap3A_334 = arith.constant 272 : index
      %swap3A_335 = tpu.vector_load %arg5[%swap3A_333, %swap3A_334] {strides = array<i32>} : memref<32x512xf32, #tpu.memory_space<vmem>>, vector<1x16xf32>,
      %swap3A_336 = vector.shape_cast %swap3A_335 : vector<1x16xf32> to vector<16xf32>
      %swap3A_337 = vector.shape_cast %broadcast_in_dim3A_41 : vector<16xf32> to vector<1x16xf32>
      tpu.vector_store %arg5[%swap3A_333, %swap3A_334], %swap3A_337 {strides = array<i32>} : memref<32x512xf32, #tpu.memory_space<vmem>>, vector<1x16xf32>,
      %swap3A_338 = arith.index_cast %scan3A_247 : i32 to index
      %swap3A_339 = arith.constant 288 : index
      %swap3A_340 = tpu.vector_load %arg5[%swap3A_338, %swap3A_339] {strides = array<i32>} : memref<32x512xf32, #tpu.memory_space<vmem>>, vector<1x16xf32>,
      %swap3A_341 = vector.shape_cast %swap3A_340 : vector<1x16xf32> to vector<16xf32>
      %swap3A_342 = vector.shape_cast %broadcast_in_dim3A_41 : vector<16xf32> to vector<1x16xf32>
      tpu.vector_store %arg5[%swap3A_338, %swap3A_339], %swap3A_342 {strides = array<i32>} : memref<32x512xf32, #tpu.memory_space<vmem>>, vector<1x16xf32>,
      %swap3A_343 = arith.index_cast %scan3A_247 : i32 to index
      %swap3A_344 = arith.constant 304 : index
      %swap3A_345 = tpu.vector_load %arg5[%swap3A_343, %swap3A_344] {strides = array<i32>} : memref<32x512xf32, #tpu.memory_space<vmem>>, vector<1x16xf32>,
      %swap3A_346 = vector.shape_cast %swap3A_345 : vector<1x16xf32> to vector<16xf32>
      %swap3A_347 = vector.shape_cast %broadcast_in_dim3A_41 : vector<16xf32> to vector<1x16xf32>
      tpu.vector_store %arg5[%swap3A_343, %swap3A_344], %swap3A_347 {strides = array<i32>} : memref<32x512xf32, #tpu.memory_space<vmem>>, vector<1x16xf32>,
      %swap3A_348 = arith.index_cast %scan3A_247 : i32 to index
      %swap3A_349 = arith.constant 320 : index
      %swap3A_350 = tpu.vector_load %arg5[%swap3A_348, %swap3A_349] {strides = array<i32>} : memref<32x512xf32, #tpu.memory_space<vmem>>, vector<1x16xf32>,
      %swap3A_351 = vector.shape_cast %swap3A_350 : vector<1x16xf32> to vector<16xf32>
      %swap3A_352 = vector.shape_cast %broadcast_in_dim3A_41 : vector<16xf32> to vector<1x16xf32>
      tpu.vector_store %arg5[%swap3A_348, %swap3A_349], %swap3A_352 {strides = array<i32>} : memref<32x512xf32, #tpu.memory_space<vmem>>, vector<1x16xf32>,
      %swap3A_353 = arith.index_cast %scan3A_247 : i32 to index
      %swap3A_354 = arith.constant 336 : index
      %swap3A_355 = tpu.vector_load %arg5[%swap3A_353, %swap3A_354] {strides = array<i32>} : memref<32x512xf32, #tpu.memory_space<vmem>>, vector<1x16xf32>,
      %swap3A_356 = vector.shape_cast %swap3A_355 : vector<1x16xf32> to vector<16xf32>
      %swap3A_357 = vector.shape_cast %broadcast_in_dim3A_41 : vector<16xf32> to vector<1x16xf32>
      tpu.vector_store %arg5[%swap3A_353, %swap3A_354], %swap3A_357 {strides = array<i32>} : memref<32x512xf32, #tpu.memory_space<vmem>>, vector<1x16xf32>,
      %swap3A_358 = arith.index_cast %scan3A_247 : i32 to index
      %swap3A_359 = arith.constant 352 : index
      %swap3A_360 = tpu.vector_load %arg5[%swap3A_358, %swap3A_359] {strides = array<i32>} : memref<32x512xf32, #tpu.memory_space<vmem>>, vector<1x16xf32>,
      %swap3A_361 = vector.shape_cast %swap3A_360 : vector<1x16xf32> to vector<16xf32>
      %swap3A_362 = vector.shape_cast %broadcast_in_dim3A_41 : vector<16xf32> to vector<1x16xf32>
      tpu.vector_store %arg5[%swap3A_358, %swap3A_359], %swap3A_362 {strides = array<i32>} : memref<32x512xf32, #tpu.memory_space<vmem>>, vector<1x16xf32>,
      %swap3A_363 = arith.index_cast %scan3A_247 : i32 to index
      %swap3A_364 = arith.constant 368 : index
      %swap3A_365 = tpu.vector_load %arg5[%swap3A_363, %swap3A_364] {strides = array<i32>} : memref<32x512xf32, #tpu.memory_space<vmem>>, vector<1x16xf32>,
      %swap3A_366 = vector.shape_cast %swap3A_365 : vector<1x16xf32> to vector<16xf32>
      %swap3A_367 = vector.shape_cast %broadcast_in_dim3A_41 : vector<16xf32> to vector<1x16xf32>
      tpu.vector_store %arg5[%swap3A_363, %swap3A_364], %swap3A_367 {strides = array<i32>} : memref<32x512xf32, #tpu.memory_space<vmem>>, vector<1x16xf32>,
      %swap3A_368 = arith.index_cast %scan3A_247 : i32 to index
      %swap3A_369 = arith.constant 384 : index
      %swap3A_370 = tpu.vector_load %arg5[%swap3A_368, %swap3A_369] {strides = array<i32>} : memref<32x512xf32, #tpu.memory_space<vmem>>, vector<1x16xf32>,
      %swap3A_371 = vector.shape_cast %swap3A_370 : vector<1x16xf32> to vector<16xf32>
      %swap3A_372 = vector.shape_cast %broadcast_in_dim3A_41 : vector<16xf32> to vector<1x16xf32>
      tpu.vector_store %arg5[%swap3A_368, %swap3A_369], %swap3A_372 {strides = array<i32>} : memref<32x512xf32, #tpu.memory_space<vmem>>, vector<1x16xf32>,
      %swap3A_373 = arith.index_cast %scan3A_247 : i32 to index
      %swap3A_374 = arith.constant 400 : index
      %swap3A_375 = tpu.vector_load %arg5[%swap3A_373, %swap3A_374] {strides = array<i32>} : memref<32x512xf32, #tpu.memory_space<vmem>>, vector<1x16xf32>,
      %swap3A_376 = vector.shape_cast %swap3A_375 : vector<1x16xf32> to vector<16xf32>
      %swap3A_377 = vector.shape_cast %broadcast_in_dim3A_41 : vector<16xf32> to vector<1x16xf32>
      tpu.vector_store %arg5[%swap3A_373, %swap3A_374], %swap3A_377 {strides = array<i32>} : memref<32x512xf32, #tpu.memory_space<vmem>>, vector<1x16xf32>,
      %swap3A_378 = arith.index_cast %scan3A_247 : i32 to index
      %swap3A_379 = arith.constant 416 : index
      %swap3A_380 = tpu.vector_load %arg5[%swap3A_378, %swap3A_379] {strides = array<i32>} : memref<32x512xf32, #tpu.memory_space<vmem>>, vector<1x16xf32>,
      %swap3A_381 = vector.shape_cast %swap3A_380 : vector<1x16xf32> to vector<16xf32>
      %swap3A_382 = vector.shape_cast %broadcast_in_dim3A_41 : vector<16xf32> to vector<1x16xf32>
      tpu.vector_store %arg5[%swap3A_378, %swap3A_379], %swap3A_382 {strides = array<i32>} : memref<32x512xf32, #tpu.memory_space<vmem>>, vector<1x16xf32>,
      %swap3A_383 = arith.index_cast %scan3A_247 : i32 to index
      %swap3A_384 = arith.constant 432 : index
      %swap3A_385 = tpu.vector_load %arg5[%swap3A_383, %swap3A_384] {strides = array<i32>} : memref<32x512xf32, #tpu.memory_space<vmem>>, vector<1x16xf32>,
      %swap3A_386 = vector.shape_cast %swap3A_385 : vector<1x16xf32> to vector<16xf32>
      %swap3A_387 = vector.shape_cast %broadcast_in_dim3A_41 : vector<16xf32> to vector<1x16xf32>
      tpu.vector_store %arg5[%swap3A_383, %swap3A_384], %swap3A_387 {strides = array<i32>} : memref<32x512xf32, #tpu.memory_space<vmem>>, vector<1x16xf32>,
      %swap3A_388 = arith.index_cast %scan3A_247 : i32 to index
      %swap3A_389 = arith.constant 448 : index
      %swap3A_390 = tpu.vector_load %arg5[%swap3A_388, %swap3A_389] {strides = array<i32>} : memref<32x512xf32, #tpu.memory_space<vmem>>, vector<1x16xf32>,
      %swap3A_391 = vector.shape_cast %swap3A_390 : vector<1x16xf32> to vector<16xf32>
      %swap3A_392 = vector.shape_cast %broadcast_in_dim3A_41 : vector<16xf32> to vector<1x16xf32>
      tpu.vector_store %arg5[%swap3A_388, %swap3A_389], %swap3A_392 {strides = array<i32>} : memref<32x512xf32, #tpu.memory_space<vmem>>, vector<1x16xf32>,
      %swap3A_393 = arith.index_cast %scan3A_247 : i32 to index
      %swap3A_394 = arith.constant 464 : index
      %swap3A_395 = tpu.vector_load %arg5[%swap3A_393, %swap3A_394] {strides = array<i32>} : memref<32x512xf32, #tpu.memory_space<vmem>>, vector<1x16xf32>,
      %swap3A_396 = vector.shape_cast %swap3A_395 : vector<1x16xf32> to vector<16xf32>
      %swap3A_397 = vector.shape_cast %broadcast_in_dim3A_41 : vector<16xf32> to vector<1x16xf32>
      tpu.vector_store %arg5[%swap3A_393, %swap3A_394], %swap3A_397 {strides = array<i32>} : memref<32x512xf32, #tpu.memory_space<vmem>>, vector<1x16xf32>,
      %swap3A_398 = arith.index_cast %scan3A_247 : i32 to index
      %swap3A_399 = arith.constant 480 : index
      %swap3A_400 = tpu.vector_load %arg5[%swap3A_398, %swap3A_399] {strides = array<i32>} : memref<32x512xf32, #tpu.memory_space<vmem>>, vector<1x16xf32>,
      %swap3A_401 = vector.shape_cast %swap3A_400 : vector<1x16xf32> to vector<16xf32>
      %swap3A_402 = vector.shape_cast %broadcast_in_dim3A_41 : vector<16xf32> to vector<1x16xf32>
      tpu.vector_store %arg5[%swap3A_398, %swap3A_399], %swap3A_402 {strides = array<i32>} : memref<32x512xf32, #tpu.memory_space<vmem>>, vector<1x16xf32>,
      %swap3A_403 = arith.index_cast %scan3A_247 : i32 to index
      %swap3A_404 = arith.constant 496 : index
      %swap3A_405 = tpu.vector_load %arg5[%swap3A_403, %swap3A_404] {strides = array<i32>} : memref<32x512xf32, #tpu.memory_space<vmem>>, vector<1x16xf32>,
      %swap3A_406 = vector.shape_cast %swap3A_405 : vector<1x16xf32> to vector<16xf32>
      %swap3A_407 = vector.shape_cast %broadcast_in_dim3A_41 : vector<16xf32> to vector<1x16xf32>
      tpu.vector_store %arg5[%swap3A_403, %swap3A_404], %swap3A_407 {strides = array<i32>} : memref<32x512xf32, #tpu.memory_space<vmem>>, vector<1x16xf32>,
    }
    %scan3A_46 = arith.constant 32 : i32
    %add3A_47 = arith.constant 0 : i32
    %add3A_48 = arith.addi %mul3A_40, %add3A_47 : i32
    %dma_start3A = arith.constant 0 : i32
    %dma_start3A_49 = tpu.memref_slice %arg4[%add3A_48, %dma_start3A] : memref<16384x512xf32, #tpu.memory_space<hbm>> -> memref<32x512xf32, #tpu.memory_space<hbm>>
    %dma_start3A_50 = arith.constant 0 : i32
    %dma_start3A_51 = tpu.memref_slice %arg4[%add3A_48, %dma_start3A_50] : memref<16384x512xf32, #tpu.memory_space<hbm>> -> memref<32x512xf32, #tpu.memory_space<hbm>>
    tpu.enqueue_dma source(%arg5 : memref<32x512xf32, #tpu.memory_space<vmem>>) target(%dma_start3A_51 : memref<32x512xf32, #tpu.memory_space<hbm>>) target_semaphore(%arg8 : memref<!tpu.dma_semaphore, #tpu.memory_space<semaphore_mem>>)
    %add3A_52 = arith.constant 32 : i32
    %add3A_53 = arith.addi %mul3A_40, %add3A_52 : i32
    %dma_start3A_54 = arith.constant 0 : i32
    %dma_start3A_55 = tpu.memref_slice %arg4[%add3A_53, %dma_start3A_54] : memref<16384x512xf32, #tpu.memory_space<hbm>> -> memref<32x512xf32, #tpu.memory_space<hbm>>
    %dma_start3A_56 = arith.constant 0 : i32
    %dma_start3A_57 = tpu.memref_slice %arg4[%add3A_53, %dma_start3A_56] : memref<16384x512xf32, #tpu.memory_space<hbm>> -> memref<32x512xf32, #tpu.memory_space<hbm>>
    tpu.enqueue_dma source(%arg5 : memref<32x512xf32, #tpu.memory_space<vmem>>) target(%dma_start3A_57 : memref<32x512xf32, #tpu.memory_space<hbm>>) target_semaphore(%arg8 : memref<!tpu.dma_semaphore, #tpu.memory_space<semaphore_mem>>)
    %add3A_58 = arith.constant 64 : i32
    %add3A_59 = arith.addi %mul3A_40, %add3A_58 : i32
    %dma_start3A_60 = arith.constant 0 : i32
    %dma_start3A_61 = tpu.memref_slice %arg4[%add3A_59, %dma_start3A_60] : memref<16384x512xf32, #tpu.memory_space<hbm>> -> memref<32x512xf32, #tpu.memory_space<hbm>>
    %dma_start3A_62 = arith.constant 0 : i32
    %dma_start3A_63 = tpu.memref_slice %arg4[%add3A_59, %dma_start3A_62] : memref<16384x512xf32, #tpu.memory_space<hbm>> -> memref<32x512xf32, #tpu.memory_space<hbm>>
    tpu.enqueue_dma source(%arg5 : memref<32x512xf32, #tpu.memory_space<vmem>>) target(%dma_start3A_63 : memref<32x512xf32, #tpu.memory_space<hbm>>) target_semaphore(%arg8 : memref<!tpu.dma_semaphore, #tpu.memory_space<semaphore_mem>>)
    %add3A_64 = arith.constant 96 : i32
    %add3A_65 = arith.addi %mul3A_40, %add3A_64 : i32
    %dma_start3A_66 = arith.constant 0 : i32
    %dma_start3A_67 = tpu.memref_slice %arg4[%add3A_65, %dma_start3A_66] : memref<16384x512xf32, #tpu.memory_space<hbm>> -> memref<32x512xf32, #tpu.memory_space<hbm>>
    %dma_start3A_68 = arith.constant 0 : i32
    %dma_start3A_69 = tpu.memref_slice %arg4[%add3A_65, %dma_start3A_68] : memref<16384x512xf32, #tpu.memory_space<hbm>> -> memref<32x512xf32, #tpu.memory_space<hbm>>
    tpu.enqueue_dma source(%arg5 : memref<32x512xf32, #tpu.memory_space<vmem>>) target(%dma_start3A_69 : memref<32x512xf32, #tpu.memory_space<hbm>>) target_semaphore(%arg8 : memref<!tpu.dma_semaphore, #tpu.memory_space<semaphore_mem>>)
    %add3A_70 = arith.constant 128 : i32
    %add3A_71 = arith.addi %mul3A_40, %add3A_70 : i32
    %dma_start3A_72 = arith.constant 0 : i32
    %dma_start3A_73 = tpu.memref_slice %arg4[%add3A_71, %dma_start3A_72] : memref<16384x512xf32, #tpu.memory_space<hbm>> -> memref<32x512xf32, #tpu.memory_space<hbm>>
    %dma_start3A_74 = arith.constant 0 : i32
    %dma_start3A_75 = tpu.memref_slice %arg4[%add3A_71, %dma_start3A_74] : memref<16384x512xf32, #tpu.memory_space<hbm>> -> memref<32x512xf32, #tpu.memory_space<hbm>>
    tpu.enqueue_dma source(%arg5 : memref<32x512xf32, #tpu.memory_space<vmem>>) target(%dma_start3A_75 : memref<32x512xf32, #tpu.memory_space<hbm>>) target_semaphore(%arg8 : memref<!tpu.dma_semaphore, #tpu.memory_space<semaphore_mem>>)
    %add3A_76 = arith.constant 160 : i32
    %add3A_77 = arith.addi %mul3A_40, %add3A_76 : i32
    %dma_start3A_78 = arith.constant 0 : i32
    %dma_start3A_79 = tpu.memref_slice %arg4[%add3A_77, %dma_start3A_78] : memref<16384x512xf32, #tpu.memory_space<hbm>> -> memref<32x512xf32, #tpu.memory_space<hbm>>
    %dma_start3A_80 = arith.constant 0 : i32
    %dma_start3A_81 = tpu.memref_slice %arg4[%add3A_77, %dma_start3A_80] : memref<16384x512xf32, #tpu.memory_space<hbm>> -> memref<32x512xf32, #tpu.memory_space<hbm>>
    tpu.enqueue_dma source(%arg5 : memref<32x512xf32, #tpu.memory_space<vmem>>) target(%dma_start3A_81 : memref<32x512xf32, #tpu.memory_space<hbm>>) target_semaphore(%arg8 : memref<!tpu.dma_semaphore, #tpu.memory_space<semaphore_mem>>)
    %add3A_82 = arith.constant 192 : i32
    %add3A_83 = arith.addi %mul3A_40, %add3A_82 : i32
    %dma_start3A_84 = arith.constant 0 : i32
    %dma_start3A_85 = tpu.memref_slice %arg4[%add3A_83, %dma_start3A_84] : memref<16384x512xf32, #tpu.memory_space<hbm>> -> memref<32x512xf32, #tpu.memory_space<hbm>>
    %dma_start3A_86 = arith.constant 0 : i32
    %dma_start3A_87 = tpu.memref_slice %arg4[%add3A_83, %dma_start3A_86] : memref<16384x512xf32, #tpu.memory_space<hbm>> -> memref<32x512xf32, #tpu.memory_space<hbm>>
    tpu.enqueue_dma source(%arg5 : memref<32x512xf32, #tpu.memory_space<vmem>>) target(%dma_start3A_87 : memref<32x512xf32, #tpu.memory_space<hbm>>) target_semaphore(%arg8 : memref<!tpu.dma_semaphore, #tpu.memory_space<semaphore_mem>>)
    %add3A_88 = arith.constant 224 : i32
    %add3A_89 = arith.addi %mul3A_40, %add3A_88 : i32
    %dma_start3A_90 = arith.constant 0 : i32
    %dma_start3A_91 = tpu.memref_slice %arg4[%add3A_89, %dma_start3A_90] : memref<16384x512xf32, #tpu.memory_space<hbm>> -> memref<32x512xf32, #tpu.memory_space<hbm>>
    %dma_start3A_92 = arith.constant 0 : i32
    %dma_start3A_93 = tpu.memref_slice %arg4[%add3A_89, %dma_start3A_92] : memref<16384x512xf32, #tpu.memory_space<hbm>> -> memref<32x512xf32, #tpu.memory_space<hbm>>
    tpu.enqueue_dma source(%arg5 : memref<32x512xf32, #tpu.memory_space<vmem>>) target(%dma_start3A_93 : memref<32x512xf32, #tpu.memory_space<hbm>>) target_semaphore(%arg8 : memref<!tpu.dma_semaphore, #tpu.memory_space<semaphore_mem>>)
    %add3A_94 = arith.constant 256 : i32
    %add3A_95 = arith.addi %mul3A_40, %add3A_94 : i32
    %dma_start3A_96 = arith.constant 0 : i32
    %dma_start3A_97 = tpu.memref_slice %arg4[%add3A_95, %dma_start3A_96] : memref<16384x512xf32, #tpu.memory_space<hbm>> -> memref<32x512xf32, #tpu.memory_space<hbm>>
    %dma_start3A_98 = arith.constant 0 : i32
    %dma_start3A_99 = tpu.memref_slice %arg4[%add3A_95, %dma_start3A_98] : memref<16384x512xf32, #tpu.memory_space<hbm>> -> memref<32x512xf32, #tpu.memory_space<hbm>>
    tpu.enqueue_dma source(%arg5 : memref<32x512xf32, #tpu.memory_space<vmem>>) target(%dma_start3A_99 : memref<32x512xf32, #tpu.memory_space<hbm>>) target_semaphore(%arg8 : memref<!tpu.dma_semaphore, #tpu.memory_space<semaphore_mem>>)
    %add3A_100 = arith.constant 288 : i32
    %add3A_101 = arith.addi %mul3A_40, %add3A_100 : i32
    %dma_start3A_102 = arith.constant 0 : i32
    %dma_start3A_103 = tpu.memref_slice %arg4[%add3A_101, %dma_start3A_102] : memref<16384x512xf32, #tpu.memory_space<hbm>> -> memref<32x512xf32, #tpu.memory_space<hbm>>
    %dma_start3A_104 = arith.constant 0 : i32
    %dma_start3A_105 = tpu.memref_slice %arg4[%add3A_101, %dma_start3A_104] : memref<16384x512xf32, #tpu.memory_space<hbm>> -> memref<32x512xf32, #tpu.memory_space<hbm>>
    tpu.enqueue_dma source(%arg5 : memref<32x512xf32, #tpu.memory_space<vmem>>) target(%dma_start3A_105 : memref<32x512xf32, #tpu.memory_space<hbm>>) target_semaphore(%arg8 : memref<!tpu.dma_semaphore, #tpu.memory_space<semaphore_mem>>)
    %add3A_106 = arith.constant 320 : i32
    %add3A_107 = arith.addi %mul3A_40, %add3A_106 : i32
    %dma_start3A_108 = arith.constant 0 : i32
    %dma_start3A_109 = tpu.memref_slice %arg4[%add3A_107, %dma_start3A_108] : memref<16384x512xf32, #tpu.memory_space<hbm>> -> memref<32x512xf32, #tpu.memory_space<hbm>>
    %dma_start3A_110 = arith.constant 0 : i32
    %dma_start3A_111 = tpu.memref_slice %arg4[%add3A_107, %dma_start3A_110] : memref<16384x512xf32, #tpu.memory_space<hbm>> -> memref<32x512xf32, #tpu.memory_space<hbm>>
    tpu.enqueue_dma source(%arg5 : memref<32x512xf32, #tpu.memory_space<vmem>>) target(%dma_start3A_111 : memref<32x512xf32, #tpu.memory_space<hbm>>) target_semaphore(%arg8 : memref<!tpu.dma_semaphore, #tpu.memory_space<semaphore_mem>>)
    %add3A_112 = arith.constant 352 : i32
    %add3A_113 = arith.addi %mul3A_40, %add3A_112 : i32
    %dma_start3A_114 = arith.constant 0 : i32
    %dma_start3A_115 = tpu.memref_slice %arg4[%add3A_113, %dma_start3A_114] : memref<16384x512xf32, #tpu.memory_space<hbm>> -> memref<32x512xf32, #tpu.memory_space<hbm>>
    %dma_start3A_116 = arith.constant 0 : i32
    %dma_start3A_117 = tpu.memref_slice %arg4[%add3A_113, %dma_start3A_116] : memref<16384x512xf32, #tpu.memory_space<hbm>> -> memref<32x512xf32, #tpu.memory_space<hbm>>
    tpu.enqueue_dma source(%arg5 : memref<32x512xf32, #tpu.memory_space<vmem>>) target(%dma_start3A_117 : memref<32x512xf32, #tpu.memory_space<hbm>>) target_semaphore(%arg8 : memref<!tpu.dma_semaphore, #tpu.memory_space<semaphore_mem>>)
    %add3A_118 = arith.constant 384 : i32
    %add3A_119 = arith.addi %mul3A_40, %add3A_118 : i32
    %dma_start3A_120 = arith.constant 0 : i32
    %dma_start3A_121 = tpu.memref_slice %arg4[%add3A_119, %dma_start3A_120] : memref<16384x512xf32, #tpu.memory_space<hbm>> -> memref<32x512xf32, #tpu.memory_space<hbm>>
    %dma_start3A_122 = arith.constant 0 : i32
    %dma_start3A_123 = tpu.memref_slice %arg4[%add3A_119, %dma_start3A_122] : memref<16384x512xf32, #tpu.memory_space<hbm>> -> memref<32x512xf32, #tpu.memory_space<hbm>>
    tpu.enqueue_dma source(%arg5 : memref<32x512xf32, #tpu.memory_space<vmem>>) target(%dma_start3A_123 : memref<32x512xf32, #tpu.memory_space<hbm>>) target_semaphore(%arg8 : memref<!tpu.dma_semaphore, #tpu.memory_space<semaphore_mem>>)
    %add3A_124 = arith.constant 416 : i32
    %add3A_125 = arith.addi %mul3A_40, %add3A_124 : i32
    %dma_start3A_126 = arith.constant 0 : i32
    %dma_start3A_127 = tpu.memref_slice %arg4[%add3A_125, %dma_start3A_126] : memref<16384x512xf32, #tpu.memory_space<hbm>> -> memref<32x512xf32, #tpu.memory_space<hbm>>
    %dma_start3A_128 = arith.constant 0 : i32
    %dma_start3A_129 = tpu.memref_slice %arg4[%add3A_125, %dma_start3A_128] : memref<16384x512xf32, #tpu.memory_space<hbm>> -> memref<32x512xf32, #tpu.memory_space<hbm>>
    tpu.enqueue_dma source(%arg5 : memref<32x512xf32, #tpu.memory_space<vmem>>) target(%dma_start3A_129 : memref<32x512xf32, #tpu.memory_space<hbm>>) target_semaphore(%arg8 : memref<!tpu.dma_semaphore, #tpu.memory_space<semaphore_mem>>)
    %add3A_130 = arith.constant 448 : i32
    %add3A_131 = arith.addi %mul3A_40, %add3A_130 : i32
    %dma_start3A_132 = arith.constant 0 : i32
    %dma_start3A_133 = tpu.memref_slice %arg4[%add3A_131, %dma_start3A_132] : memref<16384x512xf32, #tpu.memory_space<hbm>> -> memref<32x512xf32, #tpu.memory_space<hbm>>
    %dma_start3A_134 = arith.constant 0 : i32
    %dma_start3A_135 = tpu.memref_slice %arg4[%add3A_131, %dma_start3A_134] : memref<16384x512xf32, #tpu.memory_space<hbm>> -> memref<32x512xf32, #tpu.memory_space<hbm>>
    tpu.enqueue_dma source(%arg5 : memref<32x512xf32, #tpu.memory_space<vmem>>) target(%dma_start3A_135 : memref<32x512xf32, #tpu.memory_space<hbm>>) target_semaphore(%arg8 : memref<!tpu.dma_semaphore, #tpu.memory_space<semaphore_mem>>)
    %add3A_136 = arith.constant 480 : i32
    %add3A_137 = arith.addi %mul3A_40, %add3A_136 : i32
    %dma_start3A_138 = arith.constant 0 : i32
    %dma_start3A_139 = tpu.memref_slice %arg4[%add3A_137, %dma_start3A_138] : memref<16384x512xf32, #tpu.memory_space<hbm>> -> memref<32x512xf32, #tpu.memory_space<hbm>>
    %dma_start3A_140 = arith.constant 0 : i32
    %dma_start3A_141 = tpu.memref_slice %arg4[%add3A_137, %dma_start3A_140] : memref<16384x512xf32, #tpu.memory_space<hbm>> -> memref<32x512xf32, #tpu.memory_space<hbm>>
    tpu.enqueue_dma source(%arg5 : memref<32x512xf32, #tpu.memory_space<vmem>>) target(%dma_start3A_141 : memref<32x512xf32, #tpu.memory_space<hbm>>) target_semaphore(%arg8 : memref<!tpu.dma_semaphore, #tpu.memory_space<semaphore_mem>>)
    "tpu.region"() ({
      %run_scoped3A = tpu.sem_alloc : memref<!tpu.dma_semaphore, #tpu.memory_space<semaphore_mem>>
      %dma_start3A_247 = tpu.memref_slice %arg3[%add3A_35] : memref<2048xi32, #tpu.memory_space<hbm>> -> memref<64xi32, #tpu.memory_space<hbm>>
      %dma_start3A_248 = tpu.memref_slice %arg3[%add3A_35] : memref<2048xi32, #tpu.memory_space<hbm>> -> memref<64xi32, #tpu.memory_space<hbm>>
      tpu.enqueue_dma source(%dma_start3A_248 : memref<64xi32, #tpu.memory_space<hbm>>) target(%arg7 : memref<64xi32, #tpu.memory_space<vmem>>) target_semaphore(%run_scoped3A : memref<!tpu.dma_semaphore, #tpu.memory_space<semaphore_mem>>)
      %dma_wait3A_249 = tpu.memref_slice %arg3[%add3A_35] : memref<2048xi32, #tpu.memory_space<hbm>> -> memref<64xi32, #tpu.memory_space<hbm>>
      %dma_wait3A_250 = tpu.memref_slice %arg3[%add3A_35] : memref<2048xi32, #tpu.memory_space<hbm>> -> memref<64xi32, #tpu.memory_space<hbm>>
      tpu.wait_dma2 semaphore(%run_scoped3A : memref<!tpu.dma_semaphore, #tpu.memory_space<semaphore_mem>>) src(%dma_wait3A_250 : memref<64xi32, #tpu.memory_space<hbm>>) dst(%arg7 : memref<64xi32, #tpu.memory_space<vmem>>)
      tpu.yield
    }) : () -> ()
    "tpu.region"() ({
      %run_scoped3A = tpu.sem_alloc : memref<!tpu.dma_semaphore, #tpu.memory_space<semaphore_mem>>
      %dma_start3A_247 = arith.constant 0 : i32
      %dma_start3A_248 = tpu.memref_slice %arg2[%add3A_35, %dma_start3A_247] : memref<2048x512xf32, #tpu.memory_space<hbm>> -> memref<64x512xf32, #tpu.memory_space<hbm>>
      %dma_start3A_249 = arith.constant 0 : i32
      %dma_start3A_250 = tpu.memref_slice %arg2[%add3A_35, %dma_start3A_249] : memref<2048x512xf32, #tpu.memory_space<hbm>> -> memref<64x512xf32, #tpu.memory_space<hbm>>
      tpu.enqueue_dma source(%dma_start3A_250 : memref<64x512xf32, #tpu.memory_space<hbm>>) target(%arg6 : memref<64x512xf32, #tpu.memory_space<vmem>>) target_semaphore(%run_scoped3A : memref<!tpu.dma_semaphore, #tpu.memory_space<semaphore_mem>>)
      %dma_wait3A_251 = arith.constant 0 : i32
      %dma_wait3A_252 = tpu.memref_slice %arg2[%add3A_35, %dma_wait3A_251] : memref<2048x512xf32, #tpu.memory_space<hbm>> -> memref<64x512xf32, #tpu.memory_space<hbm>>
      %dma_wait3A_253 = arith.constant 0 : i32
      %dma_wait3A_254 = tpu.memref_slice %arg2[%add3A_35, %dma_wait3A_253] : memref<2048x512xf32, #tpu.memory_space<hbm>> -> memref<64x512xf32, #tpu.memory_space<hbm>>
      tpu.wait_dma2 semaphore(%run_scoped3A : memref<!tpu.dma_semaphore, #tpu.memory_space<semaphore_mem>>) src(%dma_wait3A_254 : memref<64x512xf32, #tpu.memory_space<hbm>>) dst(%arg6 : memref<64x512xf32, #tpu.memory_space<vmem>>)
      tpu.yield
    }) : () -> ()
    %mul3A_142 = arith.constant 2048 : i32
    %mul3A_143 = arith.muli %add3A, %mul3A_142 : i32
    %get3A = arith.constant 0 : index
    %get3A_144 = tpu.vector_load %arg7[%get3A] {strides = array<i32>} : memref<64xi32, #tpu.memory_space<vmem>>, vector<16xi32>,
    %get3A_145 = vector.shape_cast %get3A_144 : vector<16xi32> to vector<16xi32>
    %add3A_146 = vector.broadcast %mul3A_143 : i32 to vector<16xi32>
    %add3A_147 = arith.addi %get3A_145, %add3A_146 : vector<16xi32>
    %swap3A = arith.constant 0 : index
    %swap3A_148 = tpu.vector_load %arg7[%swap3A] {strides = array<i32>} : memref<64xi32, #tpu.memory_space<vmem>>, vector<16xi32>,
    %swap3A_149 = vector.shape_cast %swap3A_148 : vector<16xi32> to vector<16xi32>
    %swap3A_150 = vector.shape_cast %add3A_147 : vector<16xi32> to vector<16xi32>
    tpu.vector_store %arg7[%swap3A], %swap3A_150 {strides = array<i32>} : memref<64xi32, #tpu.memory_space<vmem>>, vector<16xi32>,
    %get3A_151 = arith.constant 16 : index
    %get3A_152 = tpu.vector_load %arg7[%get3A_151] {strides = array<i32>} : memref<64xi32, #tpu.memory_space<vmem>>, vector<16xi32>,
    %get3A_153 = vector.shape_cast %get3A_152 : vector<16xi32> to vector<16xi32>
    %add3A_154 = vector.broadcast %mul3A_143 : i32 to vector<16xi32>
    %add3A_155 = arith.addi %get3A_153, %add3A_154 : vector<16xi32>
    %swap3A_156 = arith.constant 16 : index
    %swap3A_157 = tpu.vector_load %arg7[%swap3A_156] {strides = array<i32>} : memref<64xi32, #tpu.memory_space<vmem>>, vector<16xi32>,
    %swap3A_158 = vector.shape_cast %swap3A_157 : vector<16xi32> to vector<16xi32>
    %swap3A_159 = vector.shape_cast %add3A_155 : vector<16xi32> to vector<16xi32>
    tpu.vector_store %arg7[%swap3A_156], %swap3A_159 {strides = array<i32>} : memref<64xi32, #tpu.memory_space<vmem>>, vector<16xi32>,
    %get3A_160 = arith.constant 32 : index
    %get3A_161 = tpu.vector_load %arg7[%get3A_160] {strides = array<i32>} : memref<64xi32, #tpu.memory_space<vmem>>, vector<16xi32>,
    %get3A_162 = vector.shape_cast %get3A_161 : vector<16xi32> to vector<16xi32>
    %add3A_163 = vector.broadcast %mul3A_143 : i32 to vector<16xi32>
    %add3A_164 = arith.addi %get3A_162, %add3A_163 : vector<16xi32>
    %swap3A_165 = arith.constant 32 : index
    %swap3A_166 = tpu.vector_load %arg7[%swap3A_165] {strides = array<i32>} : memref<64xi32, #tpu.memory_space<vmem>>, vector<16xi32>,
    %swap3A_167 = vector.shape_cast %swap3A_166 : vector<16xi32> to vector<16xi32>
    %swap3A_168 = vector.shape_cast %add3A_164 : vector<16xi32> to vector<16xi32>
    tpu.vector_store %arg7[%swap3A_165], %swap3A_168 {strides = array<i32>} : memref<64xi32, #tpu.memory_space<vmem>>, vector<16xi32>,
    %get3A_169 = arith.constant 48 : index
    %get3A_170 = tpu.vector_load %arg7[%get3A_169] {strides = array<i32>} : memref<64xi32, #tpu.memory_space<vmem>>, vector<16xi32>,
    %get3A_171 = vector.shape_cast %get3A_170 : vector<16xi32> to vector<16xi32>
    %add3A_172 = vector.broadcast %mul3A_143 : i32 to vector<16xi32>
    %add3A_173 = arith.addi %get3A_171, %add3A_172 : vector<16xi32>
    %swap3A_174 = arith.constant 48 : index
    %swap3A_175 = tpu.vector_load %arg7[%swap3A_174] {strides = array<i32>} : memref<64xi32, #tpu.memory_space<vmem>>, vector<16xi32>,
    %swap3A_176 = vector.shape_cast %swap3A_175 : vector<16xi32> to vector<16xi32>
    %swap3A_177 = vector.shape_cast %add3A_173 : vector<16xi32> to vector<16xi32>
    tpu.vector_store %arg7[%swap3A_174], %swap3A_177 {strides = array<i32>} : memref<64xi32, #tpu.memory_space<vmem>>, vector<16xi32>,
    %dma_wait3A = arith.constant 0 : i32
    %dma_wait3A_178 = tpu.memref_slice %arg4[%add3A_48, %dma_wait3A] : memref<16384x512xf32, #tpu.memory_space<hbm>> -> memref<32x512xf32, #tpu.memory_space<hbm>>
    %dma_wait3A_179 = arith.constant 0 : i32
    %dma_wait3A_180 = tpu.memref_slice %arg4[%add3A_48, %dma_wait3A_179] : memref<16384x512xf32, #tpu.memory_space<hbm>> -> memref<32x512xf32, #tpu.memory_space<hbm>>
    tpu.wait_dma2 semaphore(%arg8 : memref<!tpu.dma_semaphore, #tpu.memory_space<semaphore_mem>>) src(%arg5 : memref<32x512xf32, #tpu.memory_space<vmem>>) dst(%dma_wait3A_180 : memref<32x512xf32, #tpu.memory_space<hbm>>)
    %dma_wait3A_181 = arith.constant 0 : i32
    %dma_wait3A_182 = tpu.memref_slice %arg4[%add3A_53, %dma_wait3A_181] : memref<16384x512xf32, #tpu.memory_space<hbm>> -> memref<32x512xf32, #tpu.memory_space<hbm>>
    %dma_wait3A_183 = arith.constant 0 : i32
    %dma_wait3A_184 = tpu.memref_slice %arg4[%add3A_53, %dma_wait3A_183] : memref<16384x512xf32, #tpu.memory_space<hbm>> -> memref<32x512xf32, #tpu.memory_space<hbm>>
    tpu.wait_dma2 semaphore(%arg8 : memref<!tpu.dma_semaphore, #tpu.memory_space<semaphore_mem>>) src(%arg5 : memref<32x512xf32, #tpu.memory_space<vmem>>) dst(%dma_wait3A_184 : memref<32x512xf32, #tpu.memory_space<hbm>>)
    %dma_wait3A_185 = arith.constant 0 : i32
    %dma_wait3A_186 = tpu.memref_slice %arg4[%add3A_59, %dma_wait3A_185] : memref<16384x512xf32, #tpu.memory_space<hbm>> -> memref<32x512xf32, #tpu.memory_space<hbm>>
    %dma_wait3A_187 = arith.constant 0 : i32
    %dma_wait3A_188 = tpu.memref_slice %arg4[%add3A_59, %dma_wait3A_187] : memref<16384x512xf32, #tpu.memory_space<hbm>> -> memref<32x512xf32, #tpu.memory_space<hbm>>
    tpu.wait_dma2 semaphore(%arg8 : memref<!tpu.dma_semaphore, #tpu.memory_space<semaphore_mem>>) src(%arg5 : memref<32x512xf32, #tpu.memory_space<vmem>>) dst(%dma_wait3A_188 : memref<32x512xf32, #tpu.memory_space<hbm>>)
    %dma_wait3A_189 = arith.constant 0 : i32
    %dma_wait3A_190 = tpu.memref_slice %arg4[%add3A_65, %dma_wait3A_189] : memref<16384x512xf32, #tpu.memory_space<hbm>> -> memref<32x512xf32, #tpu.memory_space<hbm>>
    %dma_wait3A_191 = arith.constant 0 : i32
    %dma_wait3A_192 = tpu.memref_slice %arg4[%add3A_65, %dma_wait3A_191] : memref<16384x512xf32, #tpu.memory_space<hbm>> -> memref<32x512xf32, #tpu.memory_space<hbm>>
    tpu.wait_dma2 semaphore(%arg8 : memref<!tpu.dma_semaphore, #tpu.memory_space<semaphore_mem>>) src(%arg5 : memref<32x512xf32, #tpu.memory_space<vmem>>) dst(%dma_wait3A_192 : memref<32x512xf32, #tpu.memory_space<hbm>>)
    %dma_wait3A_193 = arith.constant 0 : i32
    %dma_wait3A_194 = tpu.memref_slice %arg4[%add3A_71, %dma_wait3A_193] : memref<16384x512xf32, #tpu.memory_space<hbm>> -> memref<32x512xf32, #tpu.memory_space<hbm>>
    %dma_wait3A_195 = arith.constant 0 : i32
    %dma_wait3A_196 = tpu.memref_slice %arg4[%add3A_71, %dma_wait3A_195] : memref<16384x512xf32, #tpu.memory_space<hbm>> -> memref<32x512xf32, #tpu.memory_space<hbm>>
    tpu.wait_dma2 semaphore(%arg8 : memref<!tpu.dma_semaphore, #tpu.memory_space<semaphore_mem>>) src(%arg5 : memref<32x512xf32, #tpu.memory_space<vmem>>) dst(%dma_wait3A_196 : memref<32x512xf32, #tpu.memory_space<hbm>>)
    %dma_wait3A_197 = arith.constant 0 : i32
    %dma_wait3A_198 = tpu.memref_slice %arg4[%add3A_77, %dma_wait3A_197] : memref<16384x512xf32, #tpu.memory_space<hbm>> -> memref<32x512xf32, #tpu.memory_space<hbm>>
    %dma_wait3A_199 = arith.constant 0 : i32
    %dma_wait3A_200 = tpu.memref_slice %arg4[%add3A_77, %dma_wait3A_199] : memref<16384x512xf32, #tpu.memory_space<hbm>> -> memref<32x512xf32, #tpu.memory_space<hbm>>
    tpu.wait_dma2 semaphore(%arg8 : memref<!tpu.dma_semaphore, #tpu.memory_space<semaphore_mem>>) src(%arg5 : memref<32x512xf32, #tpu.memory_space<vmem>>) dst(%dma_wait3A_200 : memref<32x512xf32, #tpu.memory_space<hbm>>)
    %dma_wait3A_201 = arith.constant 0 : i32
    %dma_wait3A_202 = tpu.memref_slice %arg4[%add3A_83, %dma_wait3A_201] : memref<16384x512xf32, #tpu.memory_space<hbm>> -> memref<32x512xf32, #tpu.memory_space<hbm>>
    %dma_wait3A_203 = arith.constant 0 : i32
    %dma_wait3A_204 = tpu.memref_slice %arg4[%add3A_83, %dma_wait3A_203] : memref<16384x512xf32, #tpu.memory_space<hbm>> -> memref<32x512xf32, #tpu.memory_space<hbm>>
    tpu.wait_dma2 semaphore(%arg8 : memref<!tpu.dma_semaphore, #tpu.memory_space<semaphore_mem>>) src(%arg5 : memref<32x512xf32, #tpu.memory_space<vmem>>) dst(%dma_wait3A_204 : memref<32x512xf32, #tpu.memory_space<hbm>>)
    %dma_wait3A_205 = arith.constant 0 : i32
    %dma_wait3A_206 = tpu.memref_slice %arg4[%add3A_89, %dma_wait3A_205] : memref<16384x512xf32, #tpu.memory_space<hbm>> -> memref<32x512xf32, #tpu.memory_space<hbm>>
    %dma_wait3A_207 = arith.constant 0 : i32
    %dma_wait3A_208 = tpu.memref_slice %arg4[%add3A_89, %dma_wait3A_207] : memref<16384x512xf32, #tpu.memory_space<hbm>> -> memref<32x512xf32, #tpu.memory_space<hbm>>
    tpu.wait_dma2 semaphore(%arg8 : memref<!tpu.dma_semaphore, #tpu.memory_space<semaphore_mem>>) src(%arg5 : memref<32x512xf32, #tpu.memory_space<vmem>>) dst(%dma_wait3A_208 : memref<32x512xf32, #tpu.memory_space<hbm>>)
    %dma_wait3A_209 = arith.constant 0 : i32
    %dma_wait3A_210 = tpu.memref_slice %arg4[%add3A_95, %dma_wait3A_209] : memref<16384x512xf32, #tpu.memory_space<hbm>> -> memref<32x512xf32, #tpu.memory_space<hbm>>
    %dma_wait3A_211 = arith.constant 0 : i32
    %dma_wait3A_212 = tpu.memref_slice %arg4[%add3A_95, %dma_wait3A_211] : memref<16384x512xf32, #tpu.memory_space<hbm>> -> memref<32x512xf32, #tpu.memory_space<hbm>>
    tpu.wait_dma2 semaphore(%arg8 : memref<!tpu.dma_semaphore, #tpu.memory_space<semaphore_mem>>) src(%arg5 : memref<32x512xf32, #tpu.memory_space<vmem>>) dst(%dma_wait3A_212 : memref<32x512xf32, #tpu.memory_space<hbm>>)
    %dma_wait3A_213 = arith.constant 0 : i32
    %dma_wait3A_214 = tpu.memref_slice %arg4[%add3A_101, %dma_wait3A_213] : memref<16384x512xf32, #tpu.memory_space<hbm>> -> memref<32x512xf32, #tpu.memory_space<hbm>>
    %dma_wait3A_215 = arith.constant 0 : i32
    %dma_wait3A_216 = tpu.memref_slice %arg4[%add3A_101, %dma_wait3A_215] : memref<16384x512xf32, #tpu.memory_space<hbm>> -> memref<32x512xf32, #tpu.memory_space<hbm>>
    tpu.wait_dma2 semaphore(%arg8 : memref<!tpu.dma_semaphore, #tpu.memory_space<semaphore_mem>>) src(%arg5 : memref<32x512xf32, #tpu.memory_space<vmem>>) dst(%dma_wait3A_216 : memref<32x512xf32, #tpu.memory_space<hbm>>)
    %dma_wait3A_217 = arith.constant 0 : i32
    %dma_wait3A_218 = tpu.memref_slice %arg4[%add3A_107, %dma_wait3A_217] : memref<16384x512xf32, #tpu.memory_space<hbm>> -> memref<32x512xf32, #tpu.memory_space<hbm>>
    %dma_wait3A_219 = arith.constant 0 : i32
    %dma_wait3A_220 = tpu.memref_slice %arg4[%add3A_107, %dma_wait3A_219] : memref<16384x512xf32, #tpu.memory_space<hbm>> -> memref<32x512xf32, #tpu.memory_space<hbm>>
    tpu.wait_dma2 semaphore(%arg8 : memref<!tpu.dma_semaphore, #tpu.memory_space<semaphore_mem>>) src(%arg5 : memref<32x512xf32, #tpu.memory_space<vmem>>) dst(%dma_wait3A_220 : memref<32x512xf32, #tpu.memory_space<hbm>>)
    %dma_wait3A_221 = arith.constant 0 : i32
    %dma_wait3A_222 = tpu.memref_slice %arg4[%add3A_113, %dma_wait3A_221] : memref<16384x512xf32, #tpu.memory_space<hbm>> -> memref<32x512xf32, #tpu.memory_space<hbm>>
    %dma_wait3A_223 = arith.constant 0 : i32
    %dma_wait3A_224 = tpu.memref_slice %arg4[%add3A_113, %dma_wait3A_223] : memref<16384x512xf32, #tpu.memory_space<hbm>> -> memref<32x512xf32, #tpu.memory_space<hbm>>
    tpu.wait_dma2 semaphore(%arg8 : memref<!tpu.dma_semaphore, #tpu.memory_space<semaphore_mem>>) src(%arg5 : memref<32x512xf32, #tpu.memory_space<vmem>>) dst(%dma_wait3A_224 : memref<32x512xf32, #tpu.memory_space<hbm>>)
    %dma_wait3A_225 = arith.constant 0 : i32
    %dma_wait3A_226 = tpu.memref_slice %arg4[%add3A_119, %dma_wait3A_225] : memref<16384x512xf32, #tpu.memory_space<hbm>> -> memref<32x512xf32, #tpu.memory_space<hbm>>
    %dma_wait3A_227 = arith.constant 0 : i32
    %dma_wait3A_228 = tpu.memref_slice %arg4[%add3A_119, %dma_wait3A_227] : memref<16384x512xf32, #tpu.memory_space<hbm>> -> memref<32x512xf32, #tpu.memory_space<hbm>>
    tpu.wait_dma2 semaphore(%arg8 : memref<!tpu.dma_semaphore, #tpu.memory_space<semaphore_mem>>) src(%arg5 : memref<32x512xf32, #tpu.memory_space<vmem>>) dst(%dma_wait3A_228 : memref<32x512xf32, #tpu.memory_space<hbm>>)
    %dma_wait3A_229 = arith.constant 0 : i32
    %dma_wait3A_230 = tpu.memref_slice %arg4[%add3A_125, %dma_wait3A_229] : memref<16384x512xf32, #tpu.memory_space<hbm>> -> memref<32x512xf32, #tpu.memory_space<hbm>>
    %dma_wait3A_231 = arith.constant 0 : i32
    %dma_wait3A_232 = tpu.memref_slice %arg4[%add3A_125, %dma_wait3A_231] : memref<16384x512xf32, #tpu.memory_space<hbm>> -> memref<32x512xf32, #tpu.memory_space<hbm>>
    tpu.wait_dma2 semaphore(%arg8 : memref<!tpu.dma_semaphore, #tpu.memory_space<semaphore_mem>>) src(%arg5 : memref<32x512xf32, #tpu.memory_space<vmem>>) dst(%dma_wait3A_232 : memref<32x512xf32, #tpu.memory_space<hbm>>)
    %dma_wait3A_233 = arith.constant 0 : i32
    %dma_wait3A_234 = tpu.memref_slice %arg4[%add3A_131, %dma_wait3A_233] : memref<16384x512xf32, #tpu.memory_space<hbm>> -> memref<32x512xf32, #tpu.memory_space<hbm>>
    %dma_wait3A_235 = arith.constant 0 : i32
    %dma_wait3A_236 = tpu.memref_slice %arg4[%add3A_131, %dma_wait3A_235] : memref<16384x512xf32, #tpu.memory_space<hbm>> -> memref<32x512xf32, #tpu.memory_space<hbm>>
    tpu.wait_dma2 semaphore(%arg8 : memref<!tpu.dma_semaphore, #tpu.memory_space<semaphore_mem>>) src(%arg5 : memref<32x512xf32, #tpu.memory_space<vmem>>) dst(%dma_wait3A_236 : memref<32x512xf32, #tpu.memory_space<hbm>>)
    %dma_wait3A_237 = arith.constant 0 : i32
    %dma_wait3A_238 = tpu.memref_slice %arg4[%add3A_137, %dma_wait3A_237] : memref<16384x512xf32, #tpu.memory_space<hbm>> -> memref<32x512xf32, #tpu.memory_space<hbm>>
    %dma_wait3A_239 = arith.constant 0 : i32
    %dma_wait3A_240 = tpu.memref_slice %arg4[%add3A_137, %dma_wait3A_239] : memref<16384x512xf32, #tpu.memory_space<hbm>> -> memref<32x512xf32, #tpu.memory_space<hbm>>
    tpu.wait_dma2 semaphore(%arg8 : memref<!tpu.dma_semaphore, #tpu.memory_space<semaphore_mem>>) src(%arg5 : memref<32x512xf32, #tpu.memory_space<vmem>>) dst(%dma_wait3A_240 : memref<32x512xf32, #tpu.memory_space<hbm>>)
    %barrier3A = arith.constant 0 : index
    tpu.barrier barrier_id(%barrier3A)
    %dma_start3A_241 = arith.constant 0 : i32
    %dma_start3A_242 = arith.constant 0 : i32
    %dma_start3A_243 = tpu.memref_slice %arg4[%dma_start3A_241, %dma_start3A_242] : memref<16384x512xf32, #tpu.memory_space<hbm>> -> memref<16384x512xf32, #tpu.memory_space<hbm>>
    tpu.enqueue_indirect_dma source(%arg6 : memref<64x512xf32, #tpu.memory_space<vmem>>) target(%dma_start3A_243 : memref<16384x512xf32, #tpu.memory_space<hbm>>) offsets(%arg7 : memref<64xi32, #tpu.memory_space<vmem>>) semaphore(%arg8 : memref<!tpu.dma_semaphore, #tpu.memory_space<semaphore_mem>>)
    %dma_wait3A_244 = arith.constant 0 : i32
    %dma_wait3A_245 = arith.constant 0 : i32
    %dma_wait3A_246 = tpu.memref_slice %arg4[%dma_wait3A_244, %dma_wait3A_245] : memref<16384x512xf32, #tpu.memory_space<hbm>> -> memref<16384x512xf32, #tpu.memory_space<hbm>>
    tpu.wait_indirect_dma semaphore(%arg8 : memref<!tpu.dma_semaphore, #tpu.memory_space<semaphore_mem>>) src(%arg6 : memref<64x512xf32, #tpu.memory_space<vmem>>) dst(%dma_wait3A_246 : memref<16384x512xf32, #tpu.memory_space<hbm>>)
    return
  }
}

module attributes {stable_mosaic.version = 14 : i64} {
  func.func @_tc_copy_body(%arg0: i32, %arg1: memref<512x2048xf32, #tpu.memory_space<vmem>>, %arg2: memref<512x2048xf32, #tpu.memory_space<vmem>>) attributes {dimension_semantics = [#tpu.dimension_semantics<arbitrary>], iteration_bounds = array<i64: 32>, scalar_prefetch = 0 : i64, scratch_operands = 0 : i64, tpu.core_type = #tpu.core_type<tc>, window_params = [{transform_indices = @transform_0, window_bounds = array<i64: 512, 2048>}, {transform_indices = @transform_1, window_bounds = array<i64: 512, 2048>}]} {
    %get3A = arith.constant 0 : index
    %get3A_0 = arith.constant 0 : index
    %get3A_1 = vector.load %arg1[%get3A, %get3A_0] : memref<512x2048xf32, #tpu.memory_space<vmem>>, vector<512x2048xf32>
    %swap3A = arith.constant 0 : index
    %swap3A_2 = arith.constant 0 : index
    %swap3A_3 = vector.load %arg2[%swap3A, %swap3A_2] : memref<512x2048xf32, #tpu.memory_space<vmem>>, vector<512x2048xf32>
    tpu.vector_store %arg2[%swap3A, %swap3A_2], %get3A_1 {strides = array<i32>} : memref<512x2048xf32, #tpu.memory_space<vmem>>, vector<512x2048xf32>,
    return
  }
  func.func @transform_0(%arg0: i32) -> (i32, i32) {
    %c0_i32 = arith.constant 0 : i32
    %c0_i32_0 = arith.constant 0 : i32
    return %arg0, %c0_i32 : i32, i32
  }
  func.func @transform_1(%arg0: i32) -> (i32, i32) {
    %c0_i32 = arith.constant 0 : i32
    %c0_i32_0 = arith.constant 0 : i32
    return %arg0, %c0_i32 : i32, i32
  }
}

</mosaic_0001>

<sc_bundles>
// kernel: kernel.4.cloned.1.call-start
scs
__scs_entry_jumppad:
0x0: {  	(pc) =	sbr.rel $0x88, $3  }
0x1: {  	(tag) =	ssettag $0x0;
	lr =	simm.s32 $0x1  }
0x2: {  	[smem:$0x3F9E] =	sst lr;
	_ =	strace $0xD0000000  }
0x3: {  	_ = 	snop  }
0x4: {  	_ = 	snop  }
0x5: {  	_ = 	snop  }
0x6: {  	_ = 	snop  }
0x7: {  	_ = 	snop  }
__scs_overlays_trampoline_lowered:
0x8: {  	[smem:$0x3FAD] =	sst s0  }
0x9: {  	[smem:$0x3FAE] =	sst s1  }
0xa: {  	[smem:$0x3FAF] =	sst s2  }
0xb: {  	[smem:$0x3FB0] =	sst s3  }
0xc: {  	[smem:$0x3FB1] =	sst s4  }
0xd: {  	[smem:$0x3FB2] =	sst s5  }
0xe: {  	[smem:$0x3FB3] =	sst s6  }
0xf: {  	[smem:$0x3FB4] =	sst s7  }
0x10: {  	[smem:$0x3FB5] =	sst s8  }
0x11: {  	[smem:$0x3FB6] =	sst s9;
	s0 =	simm.s32 @!p0 $0x0  }
0x12: {  	s1 =	sld [smem:$0x3F9C];
	s0 =	simm.s32 @p0 $0x1  }
0x13: {  	[smem:$0x3FB7] =	sst s0;
	s0 =	simm.s32 @!p1 $0x0  }
0x14: {  	s2 =	sld [smem:$0x3F9B];
	s0 =	simm.s32 @p1 $0x1  }
0x15: {  	[smem:$0x3FB8] =	sst s0;
	s0 =	simm.s32 @!p2 $0x0  }
0x16: {  	s3 =	sld [smem:$0x3FDB];
	s0 =	simm.s32 @p2 $0x1  }
0x17: {  	s4 =	simm.s32 $0x1BF5;
	[smem:$0x3FBA] =	sst s0  }
0x18: {  	s0 =	sld [smem:$0x3F9D];
	_ =	swait.ge [sflag:s4], $0x0  }
0x19: {  	s7 =	sld [smem:$0x3F9E]  }
0x1a: {  	s8 =	sadd.s32 $0xFFFFE003, lr  }
0x1b: {  	s9 =	sadd.s32 $0xFFFFFEF7, lr;
	s5 =	simm.s32 $0xFFFFFFFF;
	p2 =	slt.u32 s8, $0xFFFFF086  }
0x1c: {  	p1 =	slt.u32 s9, $0xF7A;
	s5 =	simm.s32 @!p2 $0x0  }
0x1d: {  	s5 =	simm.s32 @p1 $0x1;
	p0 =	seq.s32 s7, s2  }
0x1e: {  	s7 =	smul.u32 @!p0 $0xF7A, s2;
	p2 =	seq.s32 @!p0 s5, $0x0  }
0x1f: {  	s9 =	smul.u32 $0xF7A, s1;
	s8 =	simm.s32 @!p0 $0x1BF5;
	p2 =	por !p2, p0  }
0x20: {  	[sflag:s8] =	ssyncset.s32 @!p0 $0xFFFFF086;
	s6 =	sadd.s32 @!p0 s3, s7;
	s7 =	simm.s32 @!p0 $0x108  }
0x21: {  	s3 =	sadd.s32 s3, s9;
	s6 =	sadd.s32 @!p0 $0x88, s6;
	s7 =	simm.s32 @p2 $0x1082  }
0x22: {  	[simem:s7], [sflag:s8] =	dma.local @!p0 [hbm:s6], $0xF7A  }
0x23: {  	s9 =	sor.u32 $0xD0000000, s2;
	s6 =	simm.s32 $0x108;
	_ =	swait.ge @!p0 [sflag:s8], $0x0  }
0x24: {  	s3 =	sadd.s32 $0x88, s3;
	s6 =	simm.s32 @!p1 $0x1082;
	[sflag:s4] =	ssyncset.s32 $0xFFFFF086  }
0x25: {  	[simem:s6], [sflag:s4] =	dma.local [hbm:s3], $0xF7A  }
0x26: {  	[smem:$0x3F9E] =	sst s1;
	(tag) =	ssettag s2;
	_ =	strace s9  }
0x27: {  	s1 =	sld [smem:$0x3FAE]  }
0x28: {  	s2 =	sld [smem:$0x3FAF]  }
0x29: {  	s4 =	sld [smem:$0x3FB1]  }
0x2a: {  	p0 =	seq.s32 s5, $0x0;
	s5 =	sld [smem:$0x3FB2]  }
0x2b: {  	s6 =	sld [smem:$0x3FB3]  }
0x2c: {  	s7 =	sld [smem:$0x3FB4]  }
0x2d: {  	s3 =	simm.s32 $0x108;
	s8 =	sld [smem:$0x3FB5]  }
0x2e: {  	s3 =	simm.s32 @!p0 $0x1082;
	s9 =	sld [smem:$0x3FB6]  }
0x2f: {  	lr =	sadd.s32 s0, s3;
	s0 =	sld [smem:$0x3FAD]  }
0x30: {  	s3 =	sld [smem:$0x3FB0]  }
0x31: {  	[smem:$0x3FB9] =	sst s10  }
0x32: {  	s10 =	sld [smem:$0x3FB7];
	_ =	sdelay $0x3  }
0x33: {  	p0 =	seq.s32 s10, $0x1;
	s10 =	sld [smem:$0x3FB9];
	_ =	sdelay $0x3  }
0x34: {  	[smem:$0x3FB9] =	sst s10  }
0x35: {  	s10 =	sld [smem:$0x3FB8];
	_ =	sdelay $0x3  }
0x36: {  	p1 =	seq.s32 s10, $0x1;
	s10 =	sld [smem:$0x3FB9];
	_ =	sdelay $0x3  }
0x37: {  	[smem:$0x3FB9] =	sst s10  }
0x38: {  	s10 =	sld [smem:$0x3FBA]  }
0x39: {  	_ = 	snop;
	(pc) =	sbr.ind lr, $3  }
0x3a: {  	_ = 	snop  }
0x3b: {  	_ = 	snop  }
0x3c: {  	p2 =	seq.s32 s10, $0x1;
	s10 =	sld [smem:$0x3FB9]  }
0x3d: {  	_ =	shalt  }
0x3e: {  	_ =	shalt  }
0x3f: {  	_ =	shalt  }
0x40: {  	_ =	shalt  }
0x41: {  	_ =	shalt  }
0x42: {  	_ =	shalt  }
0x43: {  	_ =	shalt  }
0x44: {  	_ =	shalt  }
0x45: {  	_ =	shalt  }
0x46: {  	_ =	shalt  }
0x47: {  	_ =	shalt  }
0x48: {  	_ =	shalt  }
0x49: {  	_ =	shalt  }
0x4a: {  	_ =	shalt  }
0x4b: {  	_ =	shalt  }
0x4c: {  	_ =	shalt  }
0x4d: {  	_ =	shalt  }
0x4e: {  	_ =	shalt  }
0x4f: {  	_ =	shalt  }
0x50: {  	_ =	shalt  }
0x51: {  	_ =	shalt  }
0x52: {  	_ =	shalt  }
0x53: {  	_ =	shalt  }
0x54: {  	_ =	shalt  }
0x55: {  	_ =	shalt  }
0x56: {  	_ =	shalt  }
0x57: {  	_ =	shalt  }
0x58: {  	_ =	shalt  }
0x59: {  	_ =	shalt  }
0x5a: {  	_ =	shalt  }
0x5b: {  	_ =	shalt  }
0x5c: {  	_ =	shalt  }
0x5d: {  	_ =	shalt  }
0x5e: {  	_ =	shalt  }
0x5f: {  	_ =	shalt  }
0x60: {  	_ =	shalt  }
0x61: {  	_ =	shalt  }
0x62: {  	_ =	shalt  }
0x63: {  	_ =	shalt  }
0x64: {  	_ =	shalt  }
0x65: {  	_ =	shalt  }
0x66: {  	_ =	shalt  }
0x67: {  	_ =	shalt  }
0x68: {  	_ =	shalt  }
0x69: {  	_ =	shalt  }
0x6a: {  	_ =	shalt  }
0x6b: {  	_ =	shalt  }
0x6c: {  	_ =	shalt  }
0x6d: {  	_ =	shalt  }
0x6e: {  	_ =	shalt  }
0x6f: {  	_ =	shalt  }
0x70: {  	_ =	shalt  }
0x71: {  	_ =	shalt  }
0x72: {  	_ =	shalt  }
0x73: {  	_ =	shalt  }
0x74: {  	_ =	shalt  }
0x75: {  	_ =	shalt  }
0x76: {  	_ =	shalt  }
0x77: {  	_ =	shalt  }
0x78: {  	_ =	shalt  }
0x79: {  	_ =	shalt  }
0x7a: {  	_ =	shalt  }
0x7b: {  	_ =	shalt  }
0x7c: {  	_ =	shalt  }
0x7d: {  	_ =	shalt  }
0x7e: {  	_ =	shalt  }
0x7f: {  	_ =	shalt  }
0x80: {  	_ =	shalt  }
0x81: {  	_ =	shalt  }
0x82: {  	_ =	shalt  }
0x83: {  	_ =	shalt  }
0x84: {  	_ =	shalt  }
0x85: {  	_ =	shalt  }
0x86: {  	_ =	shalt  }
0x87: {  	_ =	shalt  }
.Lfunc_end0:
.L_simem_size_0:
called_computation_lowered:
.L_overlay_start_0:
0x88: {  	s2 =	sld [smem:$0x3FD9]  }
0x89: {  	s3 =	sld [smem:$0x3FFE];
	_ =	sdelay $0x1  }
0x8a: {  	s1 =	srdreg.scid  }
0x8b: {  	s0 =	sand.u32 $0x1, s1  }
0x8c: {  	s14 =	sshll.u32 s0, $0xA;
	s2 =	sadd.s32 s3, s2  }
0x8d: {  	s2 =	sadd.s32 s2, s14  }
0x8e: {  	[smem:$0x3FC5] =	sst s2  }
0x8f: {  	_ = 	snop  }
0x90: {  	s2 =	sld [smem:$0x3FD0];
	_ =	sdelay $0x2  }
0x91: {  	s4 =	simm.s32 $0xA;
	s5 =	simm.s32 $0x10;
	s15 =	sld [smem:$0x3FC8]  }
0x92: {  	[smem:s5], [sflag:s4] =	dma.local [hbm:s2], $0x1  }
0x93: {  	_ =	swait.eq [sflag:s4], $0x1  }
0x94: {  	[sflag:s4] =	ssyncset.done $0x0  }
0x95: {  	[sflag:s4] =	ssyncadd.s32 $0xFFFFFFFF  }
0x96: {  	s16 =	sld [smem:$0x11];
	(tm) =	ssettm $0x1  }
0x97: {  	s17 =	sld [smem:$0x3FFB];
	_ =	sdelay $0x3  }
0x98: {  	_ =	strace s17  }
0x99: {  	s4 =	sld [smem:$0x3FFC];
	_ =	sdelay $0x3  }
0x9a: {  	_ =	strace s4  }
0x9b: {  	s4 =	sld [smem:$0x3FFD];
	_ =	sdelay $0x3  }
0x9c: {  	_ =	strace s4  }
0x9d: {  	_ =	strace $0x8FFFFFFF  }
0x9e: {  	s18 =	sld [smem:$0x3FDB];
	_ =	sdelay $0x1  }
0x9f: {  	s19 =	simm.s32 $_scs_section_size  }
0xa0: {  	s6 =	simm.s32 $_size__tile_overlayer_lowered;
	s7 =	simm.s32 $_tile_overlayer_lowered  }
0xa1: {  	s22 =	simm.s32 $0x1BFF;
	s21 =	sshll.u32 s7, $0x1;
	s4 =	sadd.s32 s19, s18  }
0xa2: {  	s8 =	simm.s32 $0x0;
	s20 =	sshll.u32 s6, $0x1;
	s6 =	sadd.s32 s21, s4  }
0xa3: {  	[timem:s8], [sflag:s22] =	dma.local [hbm:s6], s20  }
0xa4: {  	_ =	swait.ge [sflag:s22], s20  }
0xa5: {  	s5 =	ssub.s32 $0x0, s20;
	[sflag:s22] =	ssyncset.done $0x0  }
0xa6: {  	[sflag:s22] =	ssyncadd.s32 s5;
	_ =	sdelay $0x1  }
0xa7: {  	s23 =	simm.s32 $0x1B8B  }
0xa8: {  	_ =	swait.ge [sflag:s23], $0x1  }
0xa9: {  	[sflag:s23] =	ssyncset.done $0x0  }
0xaa: {  	s25 =	simm.s32 $0x1B8E;
	s24 =	sld [smem:$0x3FFE];
	[sflag:s23] =	ssyncadd.s32 $0xFFFFFFFF  }
0xab: {  	s26 =	simm.s32 $execute0_lowered;
	[smem:$0x3FD2] =	sst s25  }
0xac: {  	s6 =	sshll.u32 s26, $0x1;
	_ =	strace $0x80000046;
	[dreg:$0x1] =	wrdreg $0xFFFFFFFF  }
0xad: {  	s28 =	simm.s32 $_size_execute0_lowered;
	s4 =	sadd.s32 s4, s6;
	[dreg:$0x0] =	wrdreg $0x0  }
0xae: {  	s6 =	sshll.u32 s28, $0x1;
	[dreg:$0x2] =	wrdreg s4  }
0xaf: {  	[dreg:$0x3] =	wrdreg s6  }
0xb0: {  	[dreg:$0x4] =	wrdreg $0xC0  }
0xb1: {  	_ =	task [dreg:s8], $0x5FFFF  }
0xb2: {  	[dreg:$0x1] =	wrdreg $0xFFFFFFFF  }
0xb3: {  	[dreg:$0x0] =	wrdreg $0x60  }
0xb4: {  	[dreg:$0x2] =	wrdreg s15  }
0xb5: {  	[dreg:$0x3] =	wrdreg s24  }
0xb6: {  	[dreg:$0x4] =	wrdreg s16  }
0xb7: {  	[dreg:$0x5] =	wrdreg $0x9  }
0xb8: {  	_ =	task.clear_ibuf [dreg:s8], $0x6FFFF;
	_ =	strace $0x90000046  }
0xb9: {  	s29 =	simm.s32 $0x9;
	_ =	strace $0x80000048  }
0xba: {  	_ =	swait.ge [sflag:s29], $0x1  }
0xbb: {  	[sflag:s29] =	ssyncadd.s32 $0xFFFFFFFF  }
0xbc: {  	_ =	strace $0x90000048  }
0xbd: {  	_ =	sfence  }
0xbe: {  	s30 =	sld [smem:$0x0];
	_ =	sdelay $0x2  }
0xbf: {  	s31 =	sshll.u32 s1, $0xD;
	s1 =	sshrl.u32 s1, $0x2  }
0xc0: {  	s3 =	sand.u32 $0x4000, s31;
	s1 =	sadd.s32 s1, s30  }
0xc1: {  	s0 =	sor.u32 s3, s0;
	s1 =	sshll.u32 s1, $0x11  }
0xc2: {  	s0 =	sor.u32 s1, s0  }
0xc3: {  	s0 =	sadd.s32 $0x8F2B, s0  }
0xc4: {  	[sflag:s0] =	ssyncadd.remote.s32 $0x1  }
0xc5: {  	_ =	sfence.sel $0xFFFF  }
0xc6: {  	[dreg:$0x0] =	wrdreg $0xFFFFFFFF;
	(pc) =	sbr.abs _section_cstart, $3  }
0xc7: {  	[dreg:$0x1] =	wrdreg $0xFFFFFFFF  }
0xc8: {  	_ =	task.clear_ibuf [dreg:s8], $0x2FFFF;
	_ =	strace $0x9FFFFFFF  }
0xc9: {  	(tm) =	ssettm $0x7FFFFFFF  }
tec
execute0_lowered:
.L_overlay_start_1:
0x0: {  	(tag) =	ssettag $0x1  }
0x1: {  	s0 =	rddreg [dreg:$0x0]  }
0x2: {  	s1 =	rddreg [dreg:$0x1]  }
0x3: {  	s2 =	rddreg [dreg:$0x2]  }
0x4: {  	s3 =	srdreg.scid;
	s7 =	stileid.u32  }
0x5: {  	s28 =	simm.s32 $0x1;
	s4 =	sand.u32 $0x1, s3;
	s3 =	simm.s32 $0x0  }
0x6: {  	s6 =	sshrl.u32 s7, $0x2;
	s21 =	sshll.u32 s7, $0x6;
	s24 =	sshll.u32 s7, $0xF  }
0x7: {  	s5 =	sshll.u32 s4, $0x2;
	[smem:$0x7FF] =	sst s3;
	s23 =	sshll.u32 s4, $0x13  }
0x8: {  	s8 =	ssub.s32 $0x2, s4;
	s22 =	sor.u32 s6, s5;
	_ =	strace $0x80000047  }
0x9: {  	s5 =	sand.u32 $0xC0, s21;
	s26 =	sor.u32 s24, s23;
	s29 =	sshrl.u32 s8, $0x1  }
0xa: {  	s6 =	sshll.u32 s22, $0x8;
	s4 =	sadd.s32 s2, s26;
	s23 =	ssub.s32 s8, s29  }
0xb: {  	s31 =	sshll.u32 s22, $0xB;
	s22 =	sadd.s32 $0x100, s2;
	s26 =	simm.s32 $0x4000  }
0xc: {  	s21 =	sor.u32 s5, s6;
	s5 =	sadd.s32 $0x800, s4;
	s6 =	sadd.s32 $0x1000, s4  }
0xd: {  	s7 =	sadd.s32 $0x1800, s4;
	s8 =	sadd.s32 $0x2000, s4;
	s9 =	sadd.s32 $0x2800, s4  }
0xe: {  	s10 =	sadd.s32 $0x3000, s4;
	s11 =	sadd.s32 $0x3800, s4;
	s12 =	sadd.s32 $0x4000, s4  }
0xf: {  	s13 =	sadd.s32 $0x4800, s4;
	s14 =	sadd.s32 $0x5000, s4;
	s15 =	sadd.s32 $0x5800, s4  }
0x10: {  	s16 =	sadd.s32 $0x6000, s4;
	s17 =	sadd.s32 $0x6800, s4;
	s18 =	sadd.s32 $0x7000, s4  }
0x11: {  	v4 =	vlaneseq.u32;
	v1 =	vimm.f32 $0.0e+00;
	s19 =	sadd.s32 $0x7800, s4;
	s25 =	sshrl.u32 s21, $0x3;
	s30 =	sshll.u32 s21, $0x6  }
0x12: {  	vm0 =	vmmov $0xffff;
	v2 =	vand.u32 $0x7, v4;
	v3 =	vshrl.u32 v4, $0x3;
	s23 =	smax.u32 s23, $0x1;
	s1 =	sadd.s32 s25, s1;
	s21 =	sadd.s32 s0, s30  }
0x13: {  	v4 =	vor.u32 $0x8, v4;
	v3 =	vmul.u32 $0x8, v3;
	v0 =	vmov s31;
	s25 =	simm.s32 $0x2;
	s0 =	simm.s32 $0x0;
	s20 =	sadd.s32 $0x400, s1  }
.LBB2_1:
0x14: {  	s1 =	sand.u32 $0x3000, s3;
	s24 =	sand.u32 $0x380, s3  }
0x15: {  	s1 =	sor.u32 s24, s1  }
0x16: {  	[tilespmem:s1+$0xC70] =	vst v1  }
0x17: {  	[tilespmem:s1+$0x0] =	vst v1  }
0x18: {  	[tilespmem:s1+$0x10] =	vst v1  }
0x19: {  	[tilespmem:s1+$0x20] =	vst v1  }
0x1a: {  	[tilespmem:s1+$0x30] =	vst v1  }
0x1b: {  	[tilespmem:s1+$0x40] =	vst v1  }
0x1c: {  	[tilespmem:s1+$0x50] =	vst v1  }
0x1d: {  	[tilespmem:s1+$0x60] =	vst v1  }
0x1e: {  	[tilespmem:s1+$0x70] =	vst v1  }
0x1f: {  	[tilespmem:s1+$0x400] =	vst v1  }
0x20: {  	[tilespmem:s1+$0x410] =	vst v1  }
0x21: {  	[tilespmem:s1+$0x420] =	vst v1  }
0x22: {  	[tilespmem:s1+$0x430] =	vst v1  }
0x23: {  	[tilespmem:s1+$0x440] =	vst v1  }
0x24: {  	[tilespmem:s1+$0x450] =	vst v1  }
0x25: {  	[tilespmem:s1+$0x460] =	vst v1  }
0x26: {  	[tilespmem:s1+$0x470] =	vst v1  }
0x27: {  	[tilespmem:s1+$0x800] =	vst v1  }
0x28: {  	[tilespmem:s1+$0x810] =	vst v1  }
0x29: {  	[tilespmem:s1+$0x820] =	vst v1  }
0x2a: {  	[tilespmem:s1+$0x830] =	vst v1  }
0x2b: {  	[tilespmem:s1+$0x840] =	vst v1  }
0x2c: {  	[tilespmem:s1+$0x850] =	vst v1  }
0x2d: {  	[tilespmem:s1+$0x860] =	vst v1  }
0x2e: {  	[tilespmem:s1+$0x870] =	vst v1  }
0x2f: {  	[tilespmem:s1+$0xC00] =	vst v1  }
0x30: {  	[tilespmem:s1+$0xC10] =	vst v1  }
0x31: {  	[tilespmem:s1+$0xC20] =	vst v1  }
0x32: {  	[tilespmem:s1+$0xC30] =	vst v1  }
0x33: {  	s29 =	simm.s32 $0x200;
	s24 =	simm.s32 $0x80;
	[tilespmem:s1+$0xC40] =	vst v1  }
0x34: {  	s30 =	sand.u32 $0x3000, s29;
	s29 =	simm.s32 $0x400;
	s31 =	sand.u32 $0x380, s24;
	[tilespmem:s1+$0xC50] =	vst v1  }
.LBB2_2:
0x35: {  	p0 =	sne.s32 s29, $0x3E00;
	[tilespmem:s1+$0xC60] =	vst v1;
	s1 =	sor.u32 s31, s30  }
0x36: {  	[tilespmem:s1+$0xC70] =	vst v1  }
0x37: {  	[tilespmem:s1+$0x0] =	vst v1  }
0x38: {  	[tilespmem:s1+$0x10] =	vst v1  }
0x39: {  	[tilespmem:s1+$0x20] =	vst v1  }
0x3a: {  	[tilespmem:s1+$0x30] =	vst v1  }
0x3b: {  	[tilespmem:s1+$0x40] =	vst v1  }
0x3c: {  	[tilespmem:s1+$0x50] =	vst v1  }
0x3d: {  	[tilespmem:s1+$0x60] =	vst v1  }
0x3e: {  	[tilespmem:s1+$0x70] =	vst v1  }
0x3f: {  	[tilespmem:s1+$0x400] =	vst v1  }
0x40: {  	[tilespmem:s1+$0x410] =	vst v1  }
0x41: {  	[tilespmem:s1+$0x420] =	vst v1  }
0x42: {  	[tilespmem:s1+$0x430] =	vst v1  }
0x43: {  	[tilespmem:s1+$0x440] =	vst v1  }
0x44: {  	[tilespmem:s1+$0x450] =	vst v1  }
0x45: {  	[tilespmem:s1+$0x460] =	vst v1  }
0x46: {  	[tilespmem:s1+$0x470] =	vst v1  }
0x47: {  	[tilespmem:s1+$0x800] =	vst v1  }
0x48: {  	[tilespmem:s1+$0x810] =	vst v1  }
0x49: {  	[tilespmem:s1+$0x820] =	vst v1  }
0x4a: {  	[tilespmem:s1+$0x830] =	vst v1  }
0x4b: {  	[tilespmem:s1+$0x840] =	vst v1  }
0x4c: {  	[tilespmem:s1+$0x850] =	vst v1  }
0x4d: {  	[tilespmem:s1+$0x860] =	vst v1  }
0x4e: {  	[tilespmem:s1+$0x870] =	vst v1  }
0x4f: {  	[tilespmem:s1+$0xC00] =	vst v1  }
.Ltmp0:
0x50: {  	[tilespmem:s1+$0xC10] =	vst v1;
	(pc) =	sbr.rel @p0 .LBB2_2-.Ltmp0, $4  }
0x51: {  	[tilespmem:s1+$0xC20] =	vst v1  }
0x52: {  	[tilespmem:s1+$0xC30] =	vst v1  }
0x53: {  	s24 =	sadd.s32 $0x80, s24;
	[tilespmem:s1+$0xC40] =	vst v1  }
0x54: {  	s30 =	sand.u32 $0x3000, s29;
	s29 =	sadd.s32 $0x200, s29;
	s31 =	sand.u32 $0x380, s24;
	[tilespmem:s1+$0xC50] =	vst v1  }
0x55: {  	s24 =	sor.u32 s31, s30;
	[tilespmem:s1+$0xC60] =	vst v1  }
0x56: {  	[tilespmem:s24+$0xC70] =	vst v1  }
0x57: {  	[tilespmem:s24+$0x0] =	vst v1  }
0x58: {  	[tilespmem:s24+$0x10] =	vst v1  }
0x59: {  	[tilespmem:s24+$0x20] =	vst v1  }
0x5a: {  	[tilespmem:s24+$0x30] =	vst v1  }
0x5b: {  	[tilespmem:s24+$0x40] =	vst v1  }
0x5c: {  	[tilespmem:s24+$0x50] =	vst v1  }
0x5d: {  	[tilespmem:s24+$0x60] =	vst v1  }
0x5e: {  	[tilespmem:s24+$0x70] =	vst v1  }
0x5f: {  	[tilespmem:s24+$0x400] =	vst v1  }
0x60: {  	[tilespmem:s24+$0x410] =	vst v1  }
0x61: {  	[tilespmem:s24+$0x420] =	vst v1  }
0x62: {  	[tilespmem:s24+$0x430] =	vst v1  }
0x63: {  	[tilespmem:s24+$0x440] =	vst v1  }
0x64: {  	[tilespmem:s24+$0x450] =	vst v1  }
0x65: {  	[tilespmem:s24+$0x460] =	vst v1  }
0x66: {  	[tilespmem:s24+$0x470] =	vst v1  }
0x67: {  	[tilespmem:s24+$0x800] =	vst v1  }
0x68: {  	[tilespmem:s24+$0x810] =	vst v1  }
0x69: {  	[tilespmem:s24+$0x820] =	vst v1  }
0x6a: {  	[tilespmem:s24+$0x830] =	vst v1  }
0x6b: {  	[tilespmem:s24+$0x840] =	vst v1  }
0x6c: {  	[tilespmem:s24+$0x850] =	vst v1  }
0x6d: {  	[tilespmem:s24+$0x860] =	vst v1  }
0x6e: {  	[tilespmem:s24+$0x870] =	vst v1  }
0x6f: {  	[tilespmem:s24+$0xC00] =	vst v1  }
0x70: {  	[tilespmem:s24+$0xC10] =	vst v1  }
0x71: {  	[tilespmem:s24+$0xC20] =	vst v1  }
0x72: {  	[tilespmem:s24+$0xC30] =	vst v1  }
0x73: {  	[tilespmem:s24+$0xC40] =	vst v1  }
0x74: {  	[tilespmem:s24+$0xC50] =	vst v1  }
0x75: {  	[tilespmem:s24+$0xC60] =	vst v1  }
0x76: {  	[hbm4b:s4+s3] =	stream.linear.scatter [tilespmem:s3], [sflag:$0x1], $0x4000, $0x38;
	[tilespmem:$0xC080] =	vst v63  }
0x77: {  	_ = 	snop  }
0x78: {  	[hbm4b:s5+s3] =	stream.linear.scatter [tilespmem:s3], [sflag:$0x1], $0x4000, $0x38;
	[tilespmem:$0xC080] =	vst v63  }
0x79: {  	_ = 	snop  }
0x7a: {  	[hbm4b:s6+s3] =	stream.linear.scatter [tilespmem:s3], [sflag:$0x1], $0x4000, $0x38;
	[tilespmem:$0xC080] =	vst v63  }
0x7b: {  	_ = 	snop  }
0x7c: {  	[hbm4b:s7+s3] =	stream.linear.scatter [tilespmem:s3], [sflag:$0x1], $0x4000, $0x38;
	[tilespmem:$0xC080] =	vst v63  }
0x7d: {  	_ = 	snop  }
0x7e: {  	[hbm4b:s8+s3] =	stream.linear.scatter [tilespmem:s3], [sflag:$0x1], $0x4000, $0x38;
	[tilespmem:$0xC080] =	vst v63  }
0x7f: {  	_ = 	snop  }
0x80: {  	[hbm4b:s9+s3] =	stream.linear.scatter [tilespmem:s3], [sflag:$0x1], $0x4000, $0x38;
	[tilespmem:$0xC080] =	vst v63  }
0x81: {  	_ = 	snop  }
0x82: {  	[hbm4b:s10+s3] =	stream.linear.scatter [tilespmem:s3], [sflag:$0x1], $0x4000, $0x38;
	[tilespmem:$0xC080] =	vst v63  }
0x83: {  	_ = 	snop  }
0x84: {  	[hbm4b:s11+s3] =	stream.linear.scatter [tilespmem:s3], [sflag:$0x1], $0x4000, $0x38;
	[tilespmem:$0xC080] =	vst v63  }
0x85: {  	_ = 	snop  }
0x86: {  	[hbm4b:s12+s3] =	stream.linear.scatter [tilespmem:s3], [sflag:$0x1], $0x4000, $0x38;
	[tilespmem:$0xC080] =	vst v63  }
0x87: {  	_ = 	snop  }
0x88: {  	[hbm4b:s13+s3] =	stream.linear.scatter [tilespmem:s3], [sflag:$0x1], $0x4000, $0x38;
	[tilespmem:$0xC080] =	vst v63  }
0x89: {  	_ = 	snop  }
0x8a: {  	[hbm4b:s14+s3] =	stream.linear.scatter [tilespmem:s3], [sflag:$0x1], $0x4000, $0x38;
	[tilespmem:$0xC080] =	vst v63  }
0x8b: {  	_ = 	snop  }
0x8c: {  	[hbm4b:s15+s3] =	stream.linear.scatter [tilespmem:s3], [sflag:$0x1], $0x4000, $0x38;
	[tilespmem:$0xC080] =	vst v63  }
0x8d: {  	_ = 	snop  }
0x8e: {  	[hbm4b:s16+s3] =	stream.linear.scatter [tilespmem:s3], [sflag:$0x1], $0x4000, $0x38;
	[tilespmem:$0xC080] =	vst v63  }
0x8f: {  	_ = 	snop  }
0x90: {  	[hbm4b:s17+s3] =	stream.linear.scatter [tilespmem:s3], [sflag:$0x1], $0x4000, $0x38;
	[tilespmem:$0xC080] =	vst v63  }
0x91: {  	_ = 	snop  }
0x92: {  	[hbm4b:s18+s3] =	stream.linear.scatter [tilespmem:s3], [sflag:$0x1], $0x4000, $0x38;
	[tilespmem:$0xC080] =	vst v63  }
0x93: {  	_ = 	snop  }
0x94: {  	[hbm4b:s19+s3] =	stream.linear.scatter [tilespmem:s3], [sflag:$0x1], $0x4000, $0x38;
	[tilespmem:$0xC080] =	vst v63  }
0x95: {  	s24 =	simm.s32 $0xC000  }
0x96: {  	[tilespmem:s24], [sflag:$0x2] =	stream.linear.gather [hbm4b:s20+s3], $0x40, $0x38;
	[tilespmem:$0xC080] =	vst v63  }
0x97: {  	_ =	swait.ge [sflag:s25], $0x40  }
0x98: {  	[sflag:s25] =	ssyncset.done $0x0  }
0x99: {  	[sflag:s25] =	ssyncadd.s32 $0xFFFFFFC0  }
0x9a: {  	[tilespmem:s26], [sflag:$0x2] =	stream.linear.gather [hbm4b:s21+s3], $0x8000, $0x38;
	[tilespmem:$0xC080] =	vst v63  }
0x9b: {  	_ =	swait.ge [sflag:s25], $0x8000  }
0x9c: {  	[sflag:s25] =	ssyncset.done $0x0  }
0x9d: {  	[sflag:s25] =	ssyncadd.s32 $0xFFFF8000  }
0x9e: {  	v5 =	vld [tilespmem:$0xC000]  }
0x9f: {  	v6 =	vld [tilespmem:$0xC010]  }
0xa0: {  	v7 =	vld [tilespmem:$0xC020]  }
0xa1: {  	v8 =	vld [tilespmem:$0xC030];
	_ =	sdelay $0x1  }
0xa2: {  	v5 =	vadd.s32 v0, v5  }
0xa3: {  	[tilespmem:$0xC000] =	vst v5;
	v5 =	vadd.s32 v0, v6  }
0xa4: {  	[tilespmem:$0xC010] =	vst v5;
	v5 =	vadd.s32 v0, v7  }
0xa5: {  	[tilespmem:$0xC020] =	vst v5;
	v5 =	vadd.s32 v0, v8  }
0xa6: {  	[tilespmem:$0xC030] =	vst v5  }
0xa7: {  	_ =	swait.ge [sflag:s28], $0x4000  }
0xa8: {  	[sflag:s28] =	ssyncset.done $0x0  }
0xa9: {  	[sflag:s28] =	ssyncadd.s32 $0xFFFFC000  }
0xaa: {  	_ =	swait.ge [sflag:s28], $0x4000  }
0xab: {  	[sflag:s28] =	ssyncset.done $0x0  }
0xac: {  	[sflag:s28] =	ssyncadd.s32 $0xFFFFC000  }
0xad: {  	_ =	swait.ge [sflag:s28], $0x4000  }
0xae: {  	[sflag:s28] =	ssyncset.done $0x0  }
0xaf: {  	[sflag:s28] =	ssyncadd.s32 $0xFFFFC000  }
0xb0: {  	_ =	swait.ge [sflag:s28], $0x4000  }
0xb1: {  	[sflag:s28] =	ssyncset.done $0x0  }
0xb2: {  	[sflag:s28] =	ssyncadd.s32 $0xFFFFC000  }
0xb3: {  	_ =	swait.ge [sflag:s28], $0x4000  }
0xb4: {  	[sflag:s28] =	ssyncset.done $0x0  }
0xb5: {  	[sflag:s28] =	ssyncadd.s32 $0xFFFFC000  }
0xb6: {  	_ =	swait.ge [sflag:s28], $0x4000  }
0xb7: {  	[sflag:s28] =	ssyncset.done $0x0  }
0xb8: {  	[sflag:s28] =	ssyncadd.s32 $0xFFFFC000  }
0xb9: {  	_ =	swait.ge [sflag:s28], $0x4000  }
0xba: {  	[sflag:s28] =	ssyncset.done $0x0  }
0xbb: {  	[sflag:s28] =	ssyncadd.s32 $0xFFFFC000  }
0xbc: {  	_ =	swait.ge [sflag:s28], $0x4000  }
0xbd: {  	[sflag:s28] =	ssyncset.done $0x0  }
0xbe: {  	[sflag:s28] =	ssyncadd.s32 $0xFFFFC000  }
0xbf: {  	_ =	swait.ge [sflag:s28], $0x4000  }
0xc0: {  	[sflag:s28] =	ssyncset.done $0x0  }
0xc1: {  	[sflag:s28] =	ssyncadd.s32 $0xFFFFC000  }
0xc2: {  	_ =	swait.ge [sflag:s28], $0x4000  }
0xc3: {  	[sflag:s28] =	ssyncset.done $0x0  }
0xc4: {  	[sflag:s28] =	ssyncadd.s32 $0xFFFFC000  }
0xc5: {  	_ =	swait.ge [sflag:s28], $0x4000  }
0xc6: {  	[sflag:s28] =	ssyncset.done $0x0  }
0xc7: {  	[sflag:s28] =	ssyncadd.s32 $0xFFFFC000  }
0xc8: {  	_ =	swait.ge [sflag:s28], $0x4000  }
0xc9: {  	[sflag:s28] =	ssyncset.done $0x0  }
0xca: {  	[sflag:s28] =	ssyncadd.s32 $0xFFFFC000  }
0xcb: {  	_ =	swait.ge [sflag:s28], $0x4000  }
0xcc: {  	[sflag:s28] =	ssyncset.done $0x0  }
0xcd: {  	[sflag:s28] =	ssyncadd.s32 $0xFFFFC000  }
0xce: {  	_ =	swait.ge [sflag:s28], $0x4000  }
0xcf: {  	[sflag:s28] =	ssyncset.done $0x0  }
0xd0: {  	[sflag:s28] =	ssyncadd.s32 $0xFFFFC000  }
0xd1: {  	_ =	swait.ge [sflag:s28], $0x4000  }
0xd2: {  	[sflag:s28] =	ssyncset.done $0x0  }
0xd3: {  	[sflag:s28] =	ssyncadd.s32 $0xFFFFC000  }
0xd4: {  	_ =	swait.ge [sflag:s28], $0x4000  }
0xd5: {  	[sflag:s28] =	ssyncset.done $0x0  }
0xd6: {  	[sflag:s28] =	ssyncadd.s32 $0xFFFFC000  }
0xd7: {  	[bflag:$0x0] =	sbarrier.arrive $0xFFFF  }
0xd8: {  	v5 =	vld [tilespmem:$0xC000];
	_ =	sdelay $0x4  }
0xd9: {  	v6 =	vshll.u32 v5, $0x2  }
0xda: {  	v5 =	vand.u32 $0x7, v5;
	v6 =	vand.u32 $0xFFFFFFE0, v6  }
0xdb: {  	v5 =	vor.u32 v5, v6  }
0xdc: {  	v6 =	vperm.xlane v5, v2;
	_ =	sdelay $0x1  }
0xdd: {  	v6 =	vadd.s32 v3, v6;
	_ =	sdelay $0x1  }
0xde: {  	v5 =	vperm.xlane v5, v4;
	_ =	sdelay $0x1  }
0xdf: {  	v5 =	vadd.s32 v3, v5  }
0xe0: {  	[hbm4b:s2+s3] =	stream.indirect_vreg.scatter [tilespmem:s26], [sflag:$0x1], $0x80, v6, vm0, $0xb8;
	[tilespmem:$0xC080] =	vst v63  }
0xe1: {  	s29 =	simm.s32 $0x4800  }
0xe2: {  	[hbm4b:s22+s3] =	stream.indirect_vreg.scatter [tilespmem:s29], [sflag:$0x1], $0x80, v6, vm0, $0xb8;
	[tilespmem:$0xC080] =	vst v63  }
0xe3: {  	s30 =	simm.s32 $0x5000  }
0xe4: {  	[hbm4b:s2+s3] =	stream.indirect_vreg.scatter [tilespmem:s30], [sflag:$0x1], $0x80, v5, vm0, $0xb8;
	[tilespmem:$0xC080] =	vst v63  }
0xe5: {  	s31 =	simm.s32 $0x5800  }
0xe6: {  	[hbm4b:s22+s3] =	stream.indirect_vreg.scatter [tilespmem:s31], [sflag:$0x1], $0x80, v5, vm0, $0xb8;
	[tilespmem:$0xC080] =	vst v63  }
0xe7: {  	v5 =	vld [tilespmem:$0xC010];
	_ =	sdelay $0x4  }
0xe8: {  	v6 =	vshll.u32 v5, $0x2  }
0xe9: {  	v5 =	vand.u32 $0x7, v5;
	v6 =	vand.u32 $0xFFFFFFE0, v6  }
0xea: {  	v5 =	vor.u32 v5, v6  }
0xeb: {  	v6 =	vperm.xlane v5, v2;
	_ =	sdelay $0x1  }
0xec: {  	v6 =	vadd.s32 v3, v6;
	_ =	sdelay $0x1  }
0xed: {  	v5 =	vperm.xlane v5, v4;
	_ =	sdelay $0x1  }
0xee: {  	s24 =	simm.s32 $0x6000;
	v5 =	vadd.s32 v3, v5  }
0xef: {  	[hbm4b:s2+s3] =	stream.indirect_vreg.scatter [tilespmem:s24], [sflag:$0x1], $0x80, v6, vm0, $0xb8;
	[tilespmem:$0xC080] =	vst v63  }
0xf0: {  	s29 =	simm.s32 $0x6800  }
0xf1: {  	[hbm4b:s22+s3] =	stream.indirect_vreg.scatter [tilespmem:s29], [sflag:$0x1], $0x80, v6, vm0, $0xb8;
	[tilespmem:$0xC080] =	vst v63  }
0xf2: {  	s30 =	simm.s32 $0x7000  }
0xf3: {  	[hbm4b:s2+s3] =	stream.indirect_vreg.scatter [tilespmem:s30], [sflag:$0x1], $0x80, v5, vm0, $0xb8;
	[tilespmem:$0xC080] =	vst v63  }
0xf4: {  	s31 =	simm.s32 $0x7800  }
0xf5: {  	[hbm4b:s22+s3] =	stream.indirect_vreg.scatter [tilespmem:s31], [sflag:$0x1], $0x80, v5, vm0, $0xb8;
	[tilespmem:$0xC080] =	vst v63  }
0xf6: {  	v5 =	vld [tilespmem:$0xC020];
	_ =	sdelay $0x4  }
0xf7: {  	v6 =	vshll.u32 v5, $0x2  }
0xf8: {  	v5 =	vand.u32 $0x7, v5;
	v6 =	vand.u32 $0xFFFFFFE0, v6  }
0xf9: {  	v5 =	vor.u32 v5, v6  }
0xfa: {  	v6 =	vperm.xlane v5, v2;
	_ =	sdelay $0x1  }
0xfb: {  	v6 =	vadd.s32 v3, v6;
	_ =	sdelay $0x1  }
0xfc: {  	v5 =	vperm.xlane v5, v4;
	_ =	sdelay $0x1  }
0xfd: {  	s24 =	simm.s32 $0x8000;
	v5 =	vadd.s32 v3, v5  }
0xfe: {  	[hbm4b:s2+s3] =	stream.indirect_vreg.scatter [tilespmem:s24], [sflag:$0x1], $0x80, v6, vm0, $0xb8;
	[tilespmem:$0xC080] =	vst v63  }
0xff: {  	s29 =	simm.s32 $0x8800  }
0x100: {  	[hbm4b:s22+s3] =	stream.indirect_vreg.scatter [tilespmem:s29], [sflag:$0x1], $0x80, v6, vm0, $0xb8;
	[tilespmem:$0xC080] =	vst v63  }
0x101: {  	s30 =	simm.s32 $0x9000  }
0x102: {  	[hbm4b:s2+s3] =	stream.indirect_vreg.scatter [tilespmem:s30], [sflag:$0x1], $0x80, v5, vm0, $0xb8;
	[tilespmem:$0xC080] =	vst v63  }
0x103: {  	s31 =	simm.s32 $0x9800  }
0x104: {  	[hbm4b:s22+s3] =	stream.indirect_vreg.scatter [tilespmem:s31], [sflag:$0x1], $0x80, v5, vm0, $0xb8;
	[tilespmem:$0xC080] =	vst v63  }
0x105: {  	v5 =	vld [tilespmem:$0xC030];
	_ =	sdelay $0x4  }
0x106: {  	v6 =	vshll.u32 v5, $0x2  }
0x107: {  	v5 =	vand.u32 $0x7, v5;
	v6 =	vand.u32 $0xFFFFFFE0, v6  }
0x108: {  	v5 =	vor.u32 v5, v6  }
0x109: {  	v6 =	vperm.xlane v5, v2;
	_ =	sdelay $0x1  }
0x10a: {  	v6 =	vadd.s32 v3, v6;
	_ =	sdelay $0x1  }
0x10b: {  	v5 =	vperm.xlane v5, v4;
	_ =	sdelay $0x1  }
0x10c: {  	s24 =	simm.s32 $0xA000;
	v5 =	vadd.s32 v3, v5  }
0x10d: {  	[hbm4b:s2+s3] =	stream.indirect_vreg.scatter [tilespmem:s24], [sflag:$0x1], $0x80, v6, vm0, $0xb8;
	[tilespmem:$0xC080] =	vst v63  }
0x10e: {  	s0 =	sadd.s32 $0x1, s0;
	s29 =	simm.s32 $0xA800  }
0x10f: {  	[hbm4b:s22+s3] =	stream.indirect_vreg.scatter [tilespmem:s29], [sflag:$0x1], $0x80, v6, vm0, $0xb8;
	[tilespmem:$0xC080] =	vst v63  }
0x110: {  	p0 =	sne.s32 s0, s23;
	s30 =	simm.s32 $0xB000  }
0x111: {  	[hbm4b:s2+s3] =	stream.indirect_vreg.scatter [tilespmem:s30], [sflag:$0x1], $0x80, v5, vm0, $0xb8;
	[tilespmem:$0xC080] =	vst v63  }
.Ltmp1:
0x112: {  	s31 =	simm.s32 $0xB800;
	(pc) =	sbr.rel @p0 .LBB2_1-.Ltmp1, $4  }
0x113: {  	[hbm4b:s22+s3] =	stream.indirect_vreg.scatter [tilespmem:s31], [sflag:$0x1], $0x80, v5, vm0, $0xb8;
	[tilespmem:$0xC080] =	vst v63  }
0x114: {  	_ =	swait.ge [sflag:s28], $0x8000  }
0x115: {  	[sflag:s28] =	ssyncset.done $0x0  }
0x116: {  	[sflag:s28] =	ssyncadd.s32 $0xFFFF8000  }
0x117: {  	_ =	sfence.sel $0x180000  }
0x118: {  	[bflag:$0x0] =	sbarrier.arrive $0xFFFF  }
0x119: {  	_ =	strace $0x90000047  }
0x11a: {  	s0 =	stileid.u32;
	[bflag:$0x2] =	sbarrier.arrive $0xFFFF  }
0x11b: {  	p0 =	sne.s32 s0, $0x0;
	s0 =	rddreg [dreg:$0x3]  }
0x11c: {  	s0 =	sadd.s32 @!p0 $0x100000, s0  }
0x11d: {  	[sflag:s0] =	ssyncadd.tile.s32 @!p0 $0x1;
	_ =	shalt  }
.Lfunc_end2:
_tile_overlayer_lowered:
.L_overlay_start_2:
0x11e: {  	(tag) =	ssettag $0x2  }
0x11f: {  	s0 =	rddreg [dreg:$0x0];
	s2 =	stileid.u32  }
0x120: {  	s1 =	rddreg [dreg:$0x1];
	p0 =	sne.s32 s2, $0x0  }
0x121: {  	s3 =	rddreg [dreg:$0x2];
	[bflag:$0x3] =	sbarrier.arrive $0xFFFF;
	s2 =	simm.s32 @!p0 $0x1C02  }
0x122: {  	[timem:s3], [sflag:s2] =	dma.local @!p0 [hbm:s0], s1  }
0x123: {  	s0 =	simm.s32 @!p0 $0x2  }
0x124: {  	_ =	swait.ge @!p0 [sflag:s0], s1  }
0x125: {  	s1 =	ssub.s32 @!p0 $0x0, s1;
	[sflag:s0] =	ssyncset.done @!p0 $0x0  }
0x126: {  	[sflag:s0] =	ssyncadd.s32 @!p0 s1  }
0x127: {  	[bflag:$0x3] =	sbarrier.arrive $0xFFFF  }
0x128: {  	_ =	shalt  }

</sc_bundles>
